<compile_context>
chip_gen: v7x
topology: tpu7x:2x2x1
jax: 0.10.2.dev20260603
libtpu: 0.0.44.dev20260713+nightly
codegen_flags: <defaults>
</compile_context>

<pallas_src>
import functools

import jax
import jax.numpy as jnp
from jax import lax
from jax.experimental import pallas as pl
from jax.experimental.pallas import tpu as pltpu
from jax.experimental.pallas import tpu_sc as plsc

NC = 2
NS = 16
NW = NC * NS


def _gather_body(idx_hbm, pe_hbm, out_hbm, idx_v, *scratch, b_per_w, chunk, ring):
    bufs = scratch[:ring]
    gsems = scratch[ring:2 * ring]
    wsems = scratch[2 * ring:3 * ring]
    wid = lax.axis_index("s") * NC + lax.axis_index("c")
    base = wid * b_per_w
    pltpu.sync_copy(idx_hbm.at[pl.ds(base, b_per_w)], idx_v)
    n_chunks = b_per_w // chunk

    def start_gather(b, g):
        pltpu.make_async_copy(
            pe_hbm.at[idx_v.at[pl.ds(g * chunk, chunk)]], bufs[b], gsems[b]
        ).start()

    def wait_gather(b, g):
        pltpu.make_async_copy(
            pe_hbm.at[idx_v.at[pl.ds(g * chunk, chunk)]], bufs[b], gsems[b]
        ).wait()

    def start_write(b, g):
        pltpu.make_async_copy(
            bufs[b], out_hbm.at[pl.ds(base + g * chunk, chunk)], wsems[b]
        ).start()

    def wait_write(b, g):
        pltpu.make_async_copy(
            bufs[b], out_hbm.at[pl.ds(base + g * chunk, chunk)], wsems[b]
        ).wait()

    for b in range(ring):
        start_gather(b, b)

    def step(i, carry):
        g0 = i * ring
        for b in range(ring):
            wait_gather(b, g0 + b)
            start_write(b, g0 + b)
        for b in range(ring):
            nxt = g0 + ring + b

            @pl.when(nxt < n_chunks)
            def _():
                wait_write(b, g0 + b)
                start_gather(b, nxt)

        return carry

    lax.fori_loop(0, n_chunks // ring, step, 0)
    for b in range(ring):
        wait_write(b, n_chunks - ring + b)


def kernel(token_positions, pe):
    batch, seq = token_positions.shape
    n = batch * seq
    v, d = pe.shape
    b_per_w = n // NW
    chunk = 8
    ring = 8

    flat_idx = token_positions.reshape(n)

    mesh = plsc.VectorSubcoreMesh(core_axis_name="c", subcore_axis_name="s")
    k = pl.kernel(
        functools.partial(_gather_body, b_per_w=b_per_w, chunk=chunk, ring=ring),
        out_type=jax.ShapeDtypeStruct((n, d), jnp.float32),
        mesh=mesh,
        scratch_types=(
            [pltpu.VMEM((b_per_w,), jnp.int32)]
            + [pltpu.VMEM((chunk, d), jnp.float32) for _ in range(ring)]
            + [pltpu.SemaphoreType.DMA for _ in range(2 * ring)]
        ),
    )
    out = k(flat_idx, pe)
    return out.reshape(batch, seq, d)

# --- scband reference (transcript-rebuilt; emitter-appended) ---
"""Pipeline reference for scband-sinusoidal-positional-embedding-87729001988247 (READ-ONLY COPY).

The authoritative reference and input builder live on the scoring server;
editing this copy changes nothing except your own understanding.
"""

import math
import jax, jax.numpy as jnp
import numpy as np

D_MODEL = 1024
MAX_SEQ_LEN = 8192
BATCH = 4
SEQ = 8192


def _build_pe(max_seq_len, d_model):
    pos = jnp.arange(max_seq_len, dtype=jnp.float32)[:, None]
    div = jnp.exp(jnp.arange(0, d_model, 2, dtype=jnp.float32) * (-math.log(10000.0) / d_model))
    pe = jnp.zeros((max_seq_len, d_model), dtype=jnp.float32)
    pe = pe.at[:, 0::2].set(jnp.sin(pos * div))
    pe = pe.at[:, 1::2].set(jnp.cos(pos * div))
    return pe


def setup_inputs(seed: int = 0) -> dict:
    key = jax.random.key(seed)
    token_positions = jax.random.randint(key, (BATCH, SEQ), 0, MAX_SEQ_LEN, dtype=jnp.int32)
    pe = _build_pe(MAX_SEQ_LEN, D_MODEL)
    return {"token_positions": token_positions, "pe": pe}


def reference(token_positions, pe):
    # Faithful translation of SinusoidalPositionalEmbedding.forward: gather rows of pe
    return jnp.take(pe, token_positions, axis=0)

if __name__ == "__main__":
    import jax
    _d = setup_inputs()
    print(jax.jit(kernel)(*tuple(_d.values())))

</pallas_src>

<mosaic_0001>
#map = affine_map<(d0, d1) -> (0)>
#map1 = affine_map<(d0, d1) -> (0, 0)>
module attributes {stable_mosaic.version = 14 : i64} {
  func.func @_gather_body(%arg0: i32, %arg1: i32, %arg2: memref<32768xi32, #tpu.memory_space<hbm>>, %arg3: memref<8192x1024xf32, #tpu.memory_space<hbm>>, %arg4: memref<32768x1024xf32, #tpu.memory_space<hbm>>, %arg5: memref<1024xi32, #tpu.memory_space<vmem>>, %arg6: memref<8x1024xf32, #tpu.memory_space<vmem>>, %arg7: memref<8x1024xf32, #tpu.memory_space<vmem>>, %arg8: memref<8x1024xf32, #tpu.memory_space<vmem>>, %arg9: memref<8x1024xf32, #tpu.memory_space<vmem>>, %arg10: memref<8x1024xf32, #tpu.memory_space<vmem>>, %arg11: memref<8x1024xf32, #tpu.memory_space<vmem>>, %arg12: memref<8x1024xf32, #tpu.memory_space<vmem>>, %arg13: memref<8x1024xf32, #tpu.memory_space<vmem>>, %arg14: memref<!tpu.dma_semaphore, #tpu.memory_space<semaphore_mem>>, %arg15: memref<!tpu.dma_semaphore, #tpu.memory_space<semaphore_mem>>, %arg16: memref<!tpu.dma_semaphore, #tpu.memory_space<semaphore_mem>>, %arg17: memref<!tpu.dma_semaphore, #tpu.memory_space<semaphore_mem>>, %arg18: memref<!tpu.dma_semaphore, #tpu.memory_space<semaphore_mem>>, %arg19: memref<!tpu.dma_semaphore, #tpu.memory_space<semaphore_mem>>, %arg20: memref<!tpu.dma_semaphore, #tpu.memory_space<semaphore_mem>>, %arg21: memref<!tpu.dma_semaphore, #tpu.memory_space<semaphore_mem>>, %arg22: memref<!tpu.dma_semaphore, #tpu.memory_space<semaphore_mem>>, %arg23: memref<!tpu.dma_semaphore, #tpu.memory_space<semaphore_mem>>, %arg24: memref<!tpu.dma_semaphore, #tpu.memory_space<semaphore_mem>>, %arg25: memref<!tpu.dma_semaphore, #tpu.memory_space<semaphore_mem>>, %arg26: memref<!tpu.dma_semaphore, #tpu.memory_space<semaphore_mem>>, %arg27: memref<!tpu.dma_semaphore, #tpu.memory_space<semaphore_mem>>, %arg28: memref<!tpu.dma_semaphore, #tpu.memory_space<semaphore_mem>>, %arg29: memref<!tpu.dma_semaphore, #tpu.memory_space<semaphore_mem>>) attributes {dimension_semantics = [#tpu.dimension_semantics<core_parallel>, #tpu.dimension_semantics<subcore_parallel>], iteration_bounds = array<i64: 2, 16>, scalar_prefetch = 0 : i64, scratch_operands = 25 : i64, tpu.core_type = #tpu.core_type<sc_vector_subcore>, window_params = [{transform_indices = #map}, {transform_indices = #map1}, {transform_indices = #map1}]} {
    %mul3A = arith.constant 2 : i32
    %mul3A_0 = arith.muli %arg1, %mul3A : i32
    %add3A = arith.addi %mul3A_0, %arg0 : i32
    %mul3A_1 = arith.constant 1024 : i32
    %mul3A_2 = arith.muli %add3A, %mul3A_1 : i32
    "tpu.region"() ({
      %run_scoped3A = tpu.sem_alloc : memref<!tpu.dma_semaphore, #tpu.memory_space<semaphore_mem>>
      %dma_start3A_94 = tpu.memref_slice %arg2[%mul3A_2] : memref<32768xi32, #tpu.memory_space<hbm>> -> memref<1024xi32, #tpu.memory_space<hbm>>
      %dma_start3A_95 = tpu.memref_slice %arg2[%mul3A_2] : memref<32768xi32, #tpu.memory_space<hbm>> -> memref<1024xi32, #tpu.memory_space<hbm>>
      tpu.enqueue_dma source(%dma_start3A_95 : memref<1024xi32, #tpu.memory_space<hbm>>) target(%arg5 : memref<1024xi32, #tpu.memory_space<vmem>>) target_semaphore(%run_scoped3A : memref<!tpu.dma_semaphore, #tpu.memory_space<semaphore_mem>>)
      %dma_wait3A_96 = tpu.memref_slice %arg2[%mul3A_2] : memref<32768xi32, #tpu.memory_space<hbm>> -> memref<1024xi32, #tpu.memory_space<hbm>>
      %dma_wait3A_97 = tpu.memref_slice %arg2[%mul3A_2] : memref<32768xi32, #tpu.memory_space<hbm>> -> memref<1024xi32, #tpu.memory_space<hbm>>
      tpu.wait_dma2 semaphore(%run_scoped3A : memref<!tpu.dma_semaphore, #tpu.memory_space<semaphore_mem>>) src(%dma_wait3A_97 : memref<1024xi32, #tpu.memory_space<hbm>>) dst(%arg5 : memref<1024xi32, #tpu.memory_space<vmem>>)
      tpu.yield
    }) : () -> ()
    %dma_start3A = arith.constant 0 : i32
    %dma_start3A_3 = tpu.memref_slice %arg5[%dma_start3A] : memref<1024xi32, #tpu.memory_space<vmem>> -> memref<8xi32, #tpu.memory_space<vmem>>
    %dma_start3A_4 = arith.constant 0 : i32
    %dma_start3A_5 = arith.constant 0 : i32
    %dma_start3A_6 = tpu.memref_slice %arg3[%dma_start3A_4, %dma_start3A_5] : memref<8192x1024xf32, #tpu.memory_space<hbm>> -> memref<8192x1024xf32, #tpu.memory_space<hbm>>
    tpu.enqueue_indirect_dma source(%dma_start3A_6 : memref<8192x1024xf32, #tpu.memory_space<hbm>>) target(%arg6 : memref<8x1024xf32, #tpu.memory_space<vmem>>) offsets(%dma_start3A_3 : memref<8xi32, #tpu.memory_space<vmem>>) semaphore(%arg14 : memref<!tpu.dma_semaphore, #tpu.memory_space<semaphore_mem>>)
    %dma_start3A_7 = arith.constant 8 : i32
    %dma_start3A_8 = tpu.memref_slice %arg5[%dma_start3A_7] : memref<1024xi32, #tpu.memory_space<vmem>> -> memref<8xi32, #tpu.memory_space<vmem>>
    %dma_start3A_9 = arith.constant 0 : i32
    %dma_start3A_10 = arith.constant 0 : i32
    %dma_start3A_11 = tpu.memref_slice %arg3[%dma_start3A_9, %dma_start3A_10] : memref<8192x1024xf32, #tpu.memory_space<hbm>> -> memref<8192x1024xf32, #tpu.memory_space<hbm>>
    tpu.enqueue_indirect_dma source(%dma_start3A_11 : memref<8192x1024xf32, #tpu.memory_space<hbm>>) target(%arg7 : memref<8x1024xf32, #tpu.memory_space<vmem>>) offsets(%dma_start3A_8 : memref<8xi32, #tpu.memory_space<vmem>>) semaphore(%arg15 : memref<!tpu.dma_semaphore, #tpu.memory_space<semaphore_mem>>)
    %dma_start3A_12 = arith.constant 16 : i32
    %dma_start3A_13 = tpu.memref_slice %arg5[%dma_start3A_12] : memref<1024xi32, #tpu.memory_space<vmem>> -> memref<8xi32, #tpu.memory_space<vmem>>
    %dma_start3A_14 = arith.constant 0 : i32
    %dma_start3A_15 = arith.constant 0 : i32
    %dma_start3A_16 = tpu.memref_slice %arg3[%dma_start3A_14, %dma_start3A_15] : memref<8192x1024xf32, #tpu.memory_space<hbm>> -> memref<8192x1024xf32, #tpu.memory_space<hbm>>
    tpu.enqueue_indirect_dma source(%dma_start3A_16 : memref<8192x1024xf32, #tpu.memory_space<hbm>>) target(%arg8 : memref<8x1024xf32, #tpu.memory_space<vmem>>) offsets(%dma_start3A_13 : memref<8xi32, #tpu.memory_space<vmem>>) semaphore(%arg16 : memref<!tpu.dma_semaphore, #tpu.memory_space<semaphore_mem>>)
    %dma_start3A_17 = arith.constant 24 : i32
    %dma_start3A_18 = tpu.memref_slice %arg5[%dma_start3A_17] : memref<1024xi32, #tpu.memory_space<vmem>> -> memref<8xi32, #tpu.memory_space<vmem>>
    %dma_start3A_19 = arith.constant 0 : i32
    %dma_start3A_20 = arith.constant 0 : i32
    %dma_start3A_21 = tpu.memref_slice %arg3[%dma_start3A_19, %dma_start3A_20] : memref<8192x1024xf32, #tpu.memory_space<hbm>> -> memref<8192x1024xf32, #tpu.memory_space<hbm>>
    tpu.enqueue_indirect_dma source(%dma_start3A_21 : memref<8192x1024xf32, #tpu.memory_space<hbm>>) target(%arg9 : memref<8x1024xf32, #tpu.memory_space<vmem>>) offsets(%dma_start3A_18 : memref<8xi32, #tpu.memory_space<vmem>>) semaphore(%arg17 : memref<!tpu.dma_semaphore, #tpu.memory_space<semaphore_mem>>)
    %dma_start3A_22 = arith.constant 32 : i32
    %dma_start3A_23 = tpu.memref_slice %arg5[%dma_start3A_22] : memref<1024xi32, #tpu.memory_space<vmem>> -> memref<8xi32, #tpu.memory_space<vmem>>
    %dma_start3A_24 = arith.constant 0 : i32
    %dma_start3A_25 = arith.constant 0 : i32
    %dma_start3A_26 = tpu.memref_slice %arg3[%dma_start3A_24, %dma_start3A_25] : memref<8192x1024xf32, #tpu.memory_space<hbm>> -> memref<8192x1024xf32, #tpu.memory_space<hbm>>
    tpu.enqueue_indirect_dma source(%dma_start3A_26 : memref<8192x1024xf32, #tpu.memory_space<hbm>>) target(%arg10 : memref<8x1024xf32, #tpu.memory_space<vmem>>) offsets(%dma_start3A_23 : memref<8xi32, #tpu.memory_space<vmem>>) semaphore(%arg18 : memref<!tpu.dma_semaphore, #tpu.memory_space<semaphore_mem>>)
    %dma_start3A_27 = arith.constant 40 : i32
    %dma_start3A_28 = tpu.memref_slice %arg5[%dma_start3A_27] : memref<1024xi32, #tpu.memory_space<vmem>> -> memref<8xi32, #tpu.memory_space<vmem>>
    %dma_start3A_29 = arith.constant 0 : i32
    %dma_start3A_30 = arith.constant 0 : i32
    %dma_start3A_31 = tpu.memref_slice %arg3[%dma_start3A_29, %dma_start3A_30] : memref<8192x1024xf32, #tpu.memory_space<hbm>> -> memref<8192x1024xf32, #tpu.memory_space<hbm>>
    tpu.enqueue_indirect_dma source(%dma_start3A_31 : memref<8192x1024xf32, #tpu.memory_space<hbm>>) target(%arg11 : memref<8x1024xf32, #tpu.memory_space<vmem>>) offsets(%dma_start3A_28 : memref<8xi32, #tpu.memory_space<vmem>>) semaphore(%arg19 : memref<!tpu.dma_semaphore, #tpu.memory_space<semaphore_mem>>)
    %dma_start3A_32 = arith.constant 48 : i32
    %dma_start3A_33 = tpu.memref_slice %arg5[%dma_start3A_32] : memref<1024xi32, #tpu.memory_space<vmem>> -> memref<8xi32, #tpu.memory_space<vmem>>
    %dma_start3A_34 = arith.constant 0 : i32
    %dma_start3A_35 = arith.constant 0 : i32
    %dma_start3A_36 = tpu.memref_slice %arg3[%dma_start3A_34, %dma_start3A_35] : memref<8192x1024xf32, #tpu.memory_space<hbm>> -> memref<8192x1024xf32, #tpu.memory_space<hbm>>
    tpu.enqueue_indirect_dma source(%dma_start3A_36 : memref<8192x1024xf32, #tpu.memory_space<hbm>>) target(%arg12 : memref<8x1024xf32, #tpu.memory_space<vmem>>) offsets(%dma_start3A_33 : memref<8xi32, #tpu.memory_space<vmem>>) semaphore(%arg20 : memref<!tpu.dma_semaphore, #tpu.memory_space<semaphore_mem>>)
    %dma_start3A_37 = arith.constant 56 : i32
    %dma_start3A_38 = tpu.memref_slice %arg5[%dma_start3A_37] : memref<1024xi32, #tpu.memory_space<vmem>> -> memref<8xi32, #tpu.memory_space<vmem>>
    %dma_start3A_39 = arith.constant 0 : i32
    %dma_start3A_40 = arith.constant 0 : i32
    %dma_start3A_41 = tpu.memref_slice %arg3[%dma_start3A_39, %dma_start3A_40] : memref<8192x1024xf32, #tpu.memory_space<hbm>> -> memref<8192x1024xf32, #tpu.memory_space<hbm>>
    tpu.enqueue_indirect_dma source(%dma_start3A_41 : memref<8192x1024xf32, #tpu.memory_space<hbm>>) target(%arg13 : memref<8x1024xf32, #tpu.memory_space<vmem>>) offsets(%dma_start3A_38 : memref<8xi32, #tpu.memory_space<vmem>>) semaphore(%arg21 : memref<!tpu.dma_semaphore, #tpu.memory_space<semaphore_mem>>)
    %scan3A = arith.constant 0 : i32
    %scan3A_42 = arith.constant 0 : i32
    %scan3A_43 = arith.constant 16 : i32
    %scan3A_44 = arith.addi %scan3A_42, %scan3A_43 : i32
    %scan3A_45 = arith.constant 1 : i32
    scf.for %scan3A_94 = %scan3A_42 to %scan3A_44 step %scan3A_45  : i32 {
      %mul3A_95 = arith.constant 8 : i32
      %mul3A_96 = arith.muli %scan3A_94, %mul3A_95 : i32
      %add3A_97 = arith.constant 0 : i32
      %add3A_98 = arith.addi %mul3A_96, %add3A_97 : i32
      %mul3A_99 = arith.constant 8 : i32
      %mul3A_100 = arith.muli %add3A_98, %mul3A_99 : i32
      %dma_wait3A_101 = tpu.memref_slice %arg5[%mul3A_100] : memref<1024xi32, #tpu.memory_space<vmem>> -> memref<8xi32, #tpu.memory_space<vmem>>
      %dma_wait3A_102 = arith.constant 0 : i32
      %dma_wait3A_103 = arith.constant 0 : i32
      %dma_wait3A_104 = tpu.memref_slice %arg3[%dma_wait3A_102, %dma_wait3A_103] : memref<8192x1024xf32, #tpu.memory_space<hbm>> -> memref<8192x1024xf32, #tpu.memory_space<hbm>>
      tpu.wait_indirect_dma semaphore(%arg14 : memref<!tpu.dma_semaphore, #tpu.memory_space<semaphore_mem>>) src(%dma_wait3A_104 : memref<8192x1024xf32, #tpu.memory_space<hbm>>) dst(%arg6 : memref<8x1024xf32, #tpu.memory_space<vmem>>)
      %add3A_105 = arith.constant 0 : i32
      %add3A_106 = arith.addi %mul3A_96, %add3A_105 : i32
      %mul3A_107 = arith.constant 8 : i32
      %mul3A_108 = arith.muli %add3A_106, %mul3A_107 : i32
      %add3A_109 = arith.addi %mul3A_2, %mul3A_108 : i32
      %dma_start3A_110 = arith.constant 0 : i32
      %dma_start3A_111 = tpu.memref_slice %arg4[%add3A_109, %dma_start3A_110] : memref<32768x1024xf32, #tpu.memory_space<hbm>> -> memref<8x1024xf32, #tpu.memory_space<hbm>>
      %dma_start3A_112 = arith.constant 0 : i32
      %dma_start3A_113 = tpu.memref_slice %arg4[%add3A_109, %dma_start3A_112] : memref<32768x1024xf32, #tpu.memory_space<hbm>> -> memref<8x1024xf32, #tpu.memory_space<hbm>>
      tpu.enqueue_dma source(%arg6 : memref<8x1024xf32, #tpu.memory_space<vmem>>) target(%dma_start3A_113 : memref<8x1024xf32, #tpu.memory_space<hbm>>) target_semaphore(%arg22 : memref<!tpu.dma_semaphore, #tpu.memory_space<semaphore_mem>>)
      %add3A_114 = arith.constant 1 : i32
      %add3A_115 = arith.addi %mul3A_96, %add3A_114 : i32
      %mul3A_116 = arith.constant 8 : i32
      %mul3A_117 = arith.muli %add3A_115, %mul3A_116 : i32
      %dma_wait3A_118 = tpu.memref_slice %arg5[%mul3A_117] : memref<1024xi32, #tpu.memory_space<vmem>> -> memref<8xi32, #tpu.memory_space<vmem>>
      %dma_wait3A_119 = arith.constant 0 : i32
      %dma_wait3A_120 = arith.constant 0 : i32
      %dma_wait3A_121 = tpu.memref_slice %arg3[%dma_wait3A_119, %dma_wait3A_120] : memref<8192x1024xf32, #tpu.memory_space<hbm>> -> memref<8192x1024xf32, #tpu.memory_space<hbm>>
      tpu.wait_indirect_dma semaphore(%arg15 : memref<!tpu.dma_semaphore, #tpu.memory_space<semaphore_mem>>) src(%dma_wait3A_121 : memref<8192x1024xf32, #tpu.memory_space<hbm>>) dst(%arg7 : memref<8x1024xf32, #tpu.memory_space<vmem>>)
      %add3A_122 = arith.constant 1 : i32
      %add3A_123 = arith.addi %mul3A_96, %add3A_122 : i32
      %mul3A_124 = arith.constant 8 : i32
      %mul3A_125 = arith.muli %add3A_123, %mul3A_124 : i32
      %add3A_126 = arith.addi %mul3A_2, %mul3A_125 : i32
      %dma_start3A_127 = arith.constant 0 : i32
      %dma_start3A_128 = tpu.memref_slice %arg4[%add3A_126, %dma_start3A_127] : memref<32768x1024xf32, #tpu.memory_space<hbm>> -> memref<8x1024xf32, #tpu.memory_space<hbm>>
      %dma_start3A_129 = arith.constant 0 : i32
      %dma_start3A_130 = tpu.memref_slice %arg4[%add3A_126, %dma_start3A_129] : memref<32768x1024xf32, #tpu.memory_space<hbm>> -> memref<8x1024xf32, #tpu.memory_space<hbm>>
      tpu.enqueue_dma source(%arg7 : memref<8x1024xf32, #tpu.memory_space<vmem>>) target(%dma_start3A_130 : memref<8x1024xf32, #tpu.memory_space<hbm>>) target_semaphore(%arg23 : memref<!tpu.dma_semaphore, #tpu.memory_space<semaphore_mem>>)
      %add3A_131 = arith.constant 2 : i32
      %add3A_132 = arith.addi %mul3A_96, %add3A_131 : i32
      %mul3A_133 = arith.constant 8 : i32
      %mul3A_134 = arith.muli %add3A_132, %mul3A_133 : i32
      %dma_wait3A_135 = tpu.memref_slice %arg5[%mul3A_134] : memref<1024xi32, #tpu.memory_space<vmem>> -> memref<8xi32, #tpu.memory_space<vmem>>
      %dma_wait3A_136 = arith.constant 0 : i32
      %dma_wait3A_137 = arith.constant 0 : i32
      %dma_wait3A_138 = tpu.memref_slice %arg3[%dma_wait3A_136, %dma_wait3A_137] : memref<8192x1024xf32, #tpu.memory_space<hbm>> -> memref<8192x1024xf32, #tpu.memory_space<hbm>>
      tpu.wait_indirect_dma semaphore(%arg16 : memref<!tpu.dma_semaphore, #tpu.memory_space<semaphore_mem>>) src(%dma_wait3A_138 : memref<8192x1024xf32, #tpu.memory_space<hbm>>) dst(%arg8 : memref<8x1024xf32, #tpu.memory_space<vmem>>)
      %add3A_139 = arith.constant 2 : i32
      %add3A_140 = arith.addi %mul3A_96, %add3A_139 : i32
      %mul3A_141 = arith.constant 8 : i32
      %mul3A_142 = arith.muli %add3A_140, %mul3A_141 : i32
      %add3A_143 = arith.addi %mul3A_2, %mul3A_142 : i32
      %dma_start3A_144 = arith.constant 0 : i32
      %dma_start3A_145 = tpu.memref_slice %arg4[%add3A_143, %dma_start3A_144] : memref<32768x1024xf32, #tpu.memory_space<hbm>> -> memref<8x1024xf32, #tpu.memory_space<hbm>>
      %dma_start3A_146 = arith.constant 0 : i32
      %dma_start3A_147 = tpu.memref_slice %arg4[%add3A_143, %dma_start3A_146] : memref<32768x1024xf32, #tpu.memory_space<hbm>> -> memref<8x1024xf32, #tpu.memory_space<hbm>>
      tpu.enqueue_dma source(%arg8 : memref<8x1024xf32, #tpu.memory_space<vmem>>) target(%dma_start3A_147 : memref<8x1024xf32, #tpu.memory_space<hbm>>) target_semaphore(%arg24 : memref<!tpu.dma_semaphore, #tpu.memory_space<semaphore_mem>>)
      %add3A_148 = arith.constant 3 : i32
      %add3A_149 = arith.addi %mul3A_96, %add3A_148 : i32
      %mul3A_150 = arith.constant 8 : i32
      %mul3A_151 = arith.muli %add3A_149, %mul3A_150 : i32
      %dma_wait3A_152 = tpu.memref_slice %arg5[%mul3A_151] : memref<1024xi32, #tpu.memory_space<vmem>> -> memref<8xi32, #tpu.memory_space<vmem>>
      %dma_wait3A_153 = arith.constant 0 : i32
      %dma_wait3A_154 = arith.constant 0 : i32
      %dma_wait3A_155 = tpu.memref_slice %arg3[%dma_wait3A_153, %dma_wait3A_154] : memref<8192x1024xf32, #tpu.memory_space<hbm>> -> memref<8192x1024xf32, #tpu.memory_space<hbm>>
      tpu.wait_indirect_dma semaphore(%arg17 : memref<!tpu.dma_semaphore, #tpu.memory_space<semaphore_mem>>) src(%dma_wait3A_155 : memref<8192x1024xf32, #tpu.memory_space<hbm>>) dst(%arg9 : memref<8x1024xf32, #tpu.memory_space<vmem>>)
      %add3A_156 = arith.constant 3 : i32
      %add3A_157 = arith.addi %mul3A_96, %add3A_156 : i32
      %mul3A_158 = arith.constant 8 : i32
      %mul3A_159 = arith.muli %add3A_157, %mul3A_158 : i32
      %add3A_160 = arith.addi %mul3A_2, %mul3A_159 : i32
      %dma_start3A_161 = arith.constant 0 : i32
      %dma_start3A_162 = tpu.memref_slice %arg4[%add3A_160, %dma_start3A_161] : memref<32768x1024xf32, #tpu.memory_space<hbm>> -> memref<8x1024xf32, #tpu.memory_space<hbm>>
      %dma_start3A_163 = arith.constant 0 : i32
      %dma_start3A_164 = tpu.memref_slice %arg4[%add3A_160, %dma_start3A_163] : memref<32768x1024xf32, #tpu.memory_space<hbm>> -> memref<8x1024xf32, #tpu.memory_space<hbm>>
      tpu.enqueue_dma source(%arg9 : memref<8x1024xf32, #tpu.memory_space<vmem>>) target(%dma_start3A_164 : memref<8x1024xf32, #tpu.memory_space<hbm>>) target_semaphore(%arg25 : memref<!tpu.dma_semaphore, #tpu.memory_space<semaphore_mem>>)
      %add3A_165 = arith.constant 4 : i32
      %add3A_166 = arith.addi %mul3A_96, %add3A_165 : i32
      %mul3A_167 = arith.constant 8 : i32
      %mul3A_168 = arith.muli %add3A_166, %mul3A_167 : i32
      %dma_wait3A_169 = tpu.memref_slice %arg5[%mul3A_168] : memref<1024xi32, #tpu.memory_space<vmem>> -> memref<8xi32, #tpu.memory_space<vmem>>
      %dma_wait3A_170 = arith.constant 0 : i32
      %dma_wait3A_171 = arith.constant 0 : i32
      %dma_wait3A_172 = tpu.memref_slice %arg3[%dma_wait3A_170, %dma_wait3A_171] : memref<8192x1024xf32, #tpu.memory_space<hbm>> -> memref<8192x1024xf32, #tpu.memory_space<hbm>>
      tpu.wait_indirect_dma semaphore(%arg18 : memref<!tpu.dma_semaphore, #tpu.memory_space<semaphore_mem>>) src(%dma_wait3A_172 : memref<8192x1024xf32, #tpu.memory_space<hbm>>) dst(%arg10 : memref<8x1024xf32, #tpu.memory_space<vmem>>)
      %add3A_173 = arith.constant 4 : i32
      %add3A_174 = arith.addi %mul3A_96, %add3A_173 : i32
      %mul3A_175 = arith.constant 8 : i32
      %mul3A_176 = arith.muli %add3A_174, %mul3A_175 : i32
      %add3A_177 = arith.addi %mul3A_2, %mul3A_176 : i32
      %dma_start3A_178 = arith.constant 0 : i32
      %dma_start3A_179 = tpu.memref_slice %arg4[%add3A_177, %dma_start3A_178] : memref<32768x1024xf32, #tpu.memory_space<hbm>> -> memref<8x1024xf32, #tpu.memory_space<hbm>>
      %dma_start3A_180 = arith.constant 0 : i32
      %dma_start3A_181 = tpu.memref_slice %arg4[%add3A_177, %dma_start3A_180] : memref<32768x1024xf32, #tpu.memory_space<hbm>> -> memref<8x1024xf32, #tpu.memory_space<hbm>>
      tpu.enqueue_dma source(%arg10 : memref<8x1024xf32, #tpu.memory_space<vmem>>) target(%dma_start3A_181 : memref<8x1024xf32, #tpu.memory_space<hbm>>) target_semaphore(%arg26 : memref<!tpu.dma_semaphore, #tpu.memory_space<semaphore_mem>>)
      %add3A_182 = arith.constant 5 : i32
      %add3A_183 = arith.addi %mul3A_96, %add3A_182 : i32
      %mul3A_184 = arith.constant 8 : i32
      %mul3A_185 = arith.muli %add3A_183, %mul3A_184 : i32
      %dma_wait3A_186 = tpu.memref_slice %arg5[%mul3A_185] : memref<1024xi32, #tpu.memory_space<vmem>> -> memref<8xi32, #tpu.memory_space<vmem>>
      %dma_wait3A_187 = arith.constant 0 : i32
      %dma_wait3A_188 = arith.constant 0 : i32
      %dma_wait3A_189 = tpu.memref_slice %arg3[%dma_wait3A_187, %dma_wait3A_188] : memref<8192x1024xf32, #tpu.memory_space<hbm>> -> memref<8192x1024xf32, #tpu.memory_space<hbm>>
      tpu.wait_indirect_dma semaphore(%arg19 : memref<!tpu.dma_semaphore, #tpu.memory_space<semaphore_mem>>) src(%dma_wait3A_189 : memref<8192x1024xf32, #tpu.memory_space<hbm>>) dst(%arg11 : memref<8x1024xf32, #tpu.memory_space<vmem>>)
      %add3A_190 = arith.constant 5 : i32
      %add3A_191 = arith.addi %mul3A_96, %add3A_190 : i32
      %mul3A_192 = arith.constant 8 : i32
      %mul3A_193 = arith.muli %add3A_191, %mul3A_192 : i32
      %add3A_194 = arith.addi %mul3A_2, %mul3A_193 : i32
      %dma_start3A_195 = arith.constant 0 : i32
      %dma_start3A_196 = tpu.memref_slice %arg4[%add3A_194, %dma_start3A_195] : memref<32768x1024xf32, #tpu.memory_space<hbm>> -> memref<8x1024xf32, #tpu.memory_space<hbm>>
      %dma_start3A_197 = arith.constant 0 : i32
      %dma_start3A_198 = tpu.memref_slice %arg4[%add3A_194, %dma_start3A_197] : memref<32768x1024xf32, #tpu.memory_space<hbm>> -> memref<8x1024xf32, #tpu.memory_space<hbm>>
      tpu.enqueue_dma source(%arg11 : memref<8x1024xf32, #tpu.memory_space<vmem>>) target(%dma_start3A_198 : memref<8x1024xf32, #tpu.memory_space<hbm>>) target_semaphore(%arg27 : memref<!tpu.dma_semaphore, #tpu.memory_space<semaphore_mem>>)
      %add3A_199 = arith.constant 6 : i32
      %add3A_200 = arith.addi %mul3A_96, %add3A_199 : i32
      %mul3A_201 = arith.constant 8 : i32
      %mul3A_202 = arith.muli %add3A_200, %mul3A_201 : i32
      %dma_wait3A_203 = tpu.memref_slice %arg5[%mul3A_202] : memref<1024xi32, #tpu.memory_space<vmem>> -> memref<8xi32, #tpu.memory_space<vmem>>
      %dma_wait3A_204 = arith.constant 0 : i32
      %dma_wait3A_205 = arith.constant 0 : i32
      %dma_wait3A_206 = tpu.memref_slice %arg3[%dma_wait3A_204, %dma_wait3A_205] : memref<8192x1024xf32, #tpu.memory_space<hbm>> -> memref<8192x1024xf32, #tpu.memory_space<hbm>>
      tpu.wait_indirect_dma semaphore(%arg20 : memref<!tpu.dma_semaphore, #tpu.memory_space<semaphore_mem>>) src(%dma_wait3A_206 : memref<8192x1024xf32, #tpu.memory_space<hbm>>) dst(%arg12 : memref<8x1024xf32, #tpu.memory_space<vmem>>)
      %add3A_207 = arith.constant 6 : i32
      %add3A_208 = arith.addi %mul3A_96, %add3A_207 : i32
      %mul3A_209 = arith.constant 8 : i32
      %mul3A_210 = arith.muli %add3A_208, %mul3A_209 : i32
      %add3A_211 = arith.addi %mul3A_2, %mul3A_210 : i32
      %dma_start3A_212 = arith.constant 0 : i32
      %dma_start3A_213 = tpu.memref_slice %arg4[%add3A_211, %dma_start3A_212] : memref<32768x1024xf32, #tpu.memory_space<hbm>> -> memref<8x1024xf32, #tpu.memory_space<hbm>>
      %dma_start3A_214 = arith.constant 0 : i32
      %dma_start3A_215 = tpu.memref_slice %arg4[%add3A_211, %dma_start3A_214] : memref<32768x1024xf32, #tpu.memory_space<hbm>> -> memref<8x1024xf32, #tpu.memory_space<hbm>>
      tpu.enqueue_dma source(%arg12 : memref<8x1024xf32, #tpu.memory_space<vmem>>) target(%dma_start3A_215 : memref<8x1024xf32, #tpu.memory_space<hbm>>) target_semaphore(%arg28 : memref<!tpu.dma_semaphore, #tpu.memory_space<semaphore_mem>>)
      %add3A_216 = arith.constant 7 : i32
      %add3A_217 = arith.addi %mul3A_96, %add3A_216 : i32
      %mul3A_218 = arith.constant 8 : i32
      %mul3A_219 = arith.muli %add3A_217, %mul3A_218 : i32
      %dma_wait3A_220 = tpu.memref_slice %arg5[%mul3A_219] : memref<1024xi32, #tpu.memory_space<vmem>> -> memref<8xi32, #tpu.memory_space<vmem>>
      %dma_wait3A_221 = arith.constant 0 : i32
      %dma_wait3A_222 = arith.constant 0 : i32
      %dma_wait3A_223 = tpu.memref_slice %arg3[%dma_wait3A_221, %dma_wait3A_222] : memref<8192x1024xf32, #tpu.memory_space<hbm>> -> memref<8192x1024xf32, #tpu.memory_space<hbm>>
      tpu.wait_indirect_dma semaphore(%arg21 : memref<!tpu.dma_semaphore, #tpu.memory_space<semaphore_mem>>) src(%dma_wait3A_223 : memref<8192x1024xf32, #tpu.memory_space<hbm>>) dst(%arg13 : memref<8x1024xf32, #tpu.memory_space<vmem>>)
      %add3A_224 = arith.constant 7 : i32
      %add3A_225 = arith.addi %mul3A_96, %add3A_224 : i32
      %mul3A_226 = arith.constant 8 : i32
      %mul3A_227 = arith.muli %add3A_225, %mul3A_226 : i32
      %add3A_228 = arith.addi %mul3A_2, %mul3A_227 : i32
      %dma_start3A_229 = arith.constant 0 : i32
      %dma_start3A_230 = tpu.memref_slice %arg4[%add3A_228, %dma_start3A_229] : memref<32768x1024xf32, #tpu.memory_space<hbm>> -> memref<8x1024xf32, #tpu.memory_space<hbm>>
      %dma_start3A_231 = arith.constant 0 : i32
      %dma_start3A_232 = tpu.memref_slice %arg4[%add3A_228, %dma_start3A_231] : memref<32768x1024xf32, #tpu.memory_space<hbm>> -> memref<8x1024xf32, #tpu.memory_space<hbm>>
      tpu.enqueue_dma source(%arg13 : memref<8x1024xf32, #tpu.memory_space<vmem>>) target(%dma_start3A_232 : memref<8x1024xf32, #tpu.memory_space<hbm>>) target_semaphore(%arg29 : memref<!tpu.dma_semaphore, #tpu.memory_space<semaphore_mem>>)
      %add3A_233 = arith.constant 8 : i32
      %add3A_234 = arith.addi %mul3A_96, %add3A_233 : i32
      %add3A_235 = arith.constant 0 : i32
      %add3A_236 = arith.addi %add3A_234, %add3A_235 : i32
      %lt3A = arith.constant 128 : i32
      %lt3A_237 = arith.cmpi slt, %add3A_236, %lt3A : i32
      %convert_element_type3A = arith.extui %lt3A_237 : i1 to i32
      %cond3A = arith.constant 0 : i32
      %cond3A_238 = arith.cmpi ne, %convert_element_type3A, %cond3A : i32
      scf.if %cond3A_238 {
        %add3A_302 = arith.constant 0 : i32
        %add3A_303 = arith.addi %mul3A_96, %add3A_302 : i32
        %mul3A_304 = arith.constant 8 : i32
        %mul3A_305 = arith.muli %add3A_303, %mul3A_304 : i32
        %add3A_306 = arith.addi %mul3A_2, %mul3A_305 : i32
        %dma_wait3A_307 = arith.constant 0 : i32
        %dma_wait3A_308 = tpu.memref_slice %arg4[%add3A_306, %dma_wait3A_307] : memref<32768x1024xf32, #tpu.memory_space<hbm>> -> memref<8x1024xf32, #tpu.memory_space<hbm>>
        %dma_wait3A_309 = arith.constant 0 : i32
        %dma_wait3A_310 = tpu.memref_slice %arg4[%add3A_306, %dma_wait3A_309] : memref<32768x1024xf32, #tpu.memory_space<hbm>> -> memref<8x1024xf32, #tpu.memory_space<hbm>>
        tpu.wait_dma2 semaphore(%arg22 : memref<!tpu.dma_semaphore, #tpu.memory_space<semaphore_mem>>) src(%arg6 : memref<8x1024xf32, #tpu.memory_space<vmem>>) dst(%dma_wait3A_310 : memref<8x1024xf32, #tpu.memory_space<hbm>>)
        %mul3A_311 = arith.constant 8 : i32
        %mul3A_312 = arith.muli %add3A_236, %mul3A_311 : i32
        %dma_start3A_313 = tpu.memref_slice %arg5[%mul3A_312] : memref<1024xi32, #tpu.memory_space<vmem>> -> memref<8xi32, #tpu.memory_space<vmem>>
        %dma_start3A_314 = arith.constant 0 : i32
        %dma_start3A_315 = arith.constant 0 : i32
        %dma_start3A_316 = tpu.memref_slice %arg3[%dma_start3A_314, %dma_start3A_315] : memref<8192x1024xf32, #tpu.memory_space<hbm>> -> memref<8192x1024xf32, #tpu.memory_space<hbm>>
        tpu.enqueue_indirect_dma source(%dma_start3A_316 : memref<8192x1024xf32, #tpu.memory_space<hbm>>) target(%arg6 : memref<8x1024xf32, #tpu.memory_space<vmem>>) offsets(%dma_start3A_313 : memref<8xi32, #tpu.memory_space<vmem>>) semaphore(%arg14 : memref<!tpu.dma_semaphore, #tpu.memory_space<semaphore_mem>>)
      } else {
      }
      %add3A_239 = arith.constant 8 : i32
      %add3A_240 = arith.addi %mul3A_96, %add3A_239 : i32
      %add3A_241 = arith.constant 1 : i32
      %add3A_242 = arith.addi %add3A_240, %add3A_241 : i32
      %lt3A_243 = arith.constant 128 : i32
      %lt3A_244 = arith.cmpi slt, %add3A_242, %lt3A_243 : i32
      %convert_element_type3A_245 = arith.extui %lt3A_244 : i1 to i32
      %cond3A_246 = arith.constant 0 : i32
      %cond3A_247 = arith.cmpi ne, %convert_element_type3A_245, %cond3A_246 : i32
      scf.if %cond3A_247 {
        %add3A_302 = arith.constant 1 : i32
        %add3A_303 = arith.addi %mul3A_96, %add3A_302 : i32
        %mul3A_304 = arith.constant 8 : i32
        %mul3A_305 = arith.muli %add3A_303, %mul3A_304 : i32
        %add3A_306 = arith.addi %mul3A_2, %mul3A_305 : i32
        %dma_wait3A_307 = arith.constant 0 : i32
        %dma_wait3A_308 = tpu.memref_slice %arg4[%add3A_306, %dma_wait3A_307] : memref<32768x1024xf32, #tpu.memory_space<hbm>> -> memref<8x1024xf32, #tpu.memory_space<hbm>>
        %dma_wait3A_309 = arith.constant 0 : i32
        %dma_wait3A_310 = tpu.memref_slice %arg4[%add3A_306, %dma_wait3A_309] : memref<32768x1024xf32, #tpu.memory_space<hbm>> -> memref<8x1024xf32, #tpu.memory_space<hbm>>
        tpu.wait_dma2 semaphore(%arg23 : memref<!tpu.dma_semaphore, #tpu.memory_space<semaphore_mem>>) src(%arg7 : memref<8x1024xf32, #tpu.memory_space<vmem>>) dst(%dma_wait3A_310 : memref<8x1024xf32, #tpu.memory_space<hbm>>)
        %mul3A_311 = arith.constant 8 : i32
        %mul3A_312 = arith.muli %add3A_242, %mul3A_311 : i32
        %dma_start3A_313 = tpu.memref_slice %arg5[%mul3A_312] : memref<1024xi32, #tpu.memory_space<vmem>> -> memref<8xi32, #tpu.memory_space<vmem>>
        %dma_start3A_314 = arith.constant 0 : i32
        %dma_start3A_315 = arith.constant 0 : i32
        %dma_start3A_316 = tpu.memref_slice %arg3[%dma_start3A_314, %dma_start3A_315] : memref<8192x1024xf32, #tpu.memory_space<hbm>> -> memref<8192x1024xf32, #tpu.memory_space<hbm>>
        tpu.enqueue_indirect_dma source(%dma_start3A_316 : memref<8192x1024xf32, #tpu.memory_space<hbm>>) target(%arg7 : memref<8x1024xf32, #tpu.memory_space<vmem>>) offsets(%dma_start3A_313 : memref<8xi32, #tpu.memory_space<vmem>>) semaphore(%arg15 : memref<!tpu.dma_semaphore, #tpu.memory_space<semaphore_mem>>)
      } else {
      }
      %add3A_248 = arith.constant 8 : i32
      %add3A_249 = arith.addi %mul3A_96, %add3A_248 : i32
      %add3A_250 = arith.constant 2 : i32
      %add3A_251 = arith.addi %add3A_249, %add3A_250 : i32
      %lt3A_252 = arith.constant 128 : i32
      %lt3A_253 = arith.cmpi slt, %add3A_251, %lt3A_252 : i32
      %convert_element_type3A_254 = arith.extui %lt3A_253 : i1 to i32
      %cond3A_255 = arith.constant 0 : i32
      %cond3A_256 = arith.cmpi ne, %convert_element_type3A_254, %cond3A_255 : i32
      scf.if %cond3A_256 {
        %add3A_302 = arith.constant 2 : i32
        %add3A_303 = arith.addi %mul3A_96, %add3A_302 : i32
        %mul3A_304 = arith.constant 8 : i32
        %mul3A_305 = arith.muli %add3A_303, %mul3A_304 : i32
        %add3A_306 = arith.addi %mul3A_2, %mul3A_305 : i32
        %dma_wait3A_307 = arith.constant 0 : i32
        %dma_wait3A_308 = tpu.memref_slice %arg4[%add3A_306, %dma_wait3A_307] : memref<32768x1024xf32, #tpu.memory_space<hbm>> -> memref<8x1024xf32, #tpu.memory_space<hbm>>
        %dma_wait3A_309 = arith.constant 0 : i32
        %dma_wait3A_310 = tpu.memref_slice %arg4[%add3A_306, %dma_wait3A_309] : memref<32768x1024xf32, #tpu.memory_space<hbm>> -> memref<8x1024xf32, #tpu.memory_space<hbm>>
        tpu.wait_dma2 semaphore(%arg24 : memref<!tpu.dma_semaphore, #tpu.memory_space<semaphore_mem>>) src(%arg8 : memref<8x1024xf32, #tpu.memory_space<vmem>>) dst(%dma_wait3A_310 : memref<8x1024xf32, #tpu.memory_space<hbm>>)
        %mul3A_311 = arith.constant 8 : i32
        %mul3A_312 = arith.muli %add3A_251, %mul3A_311 : i32
        %dma_start3A_313 = tpu.memref_slice %arg5[%mul3A_312] : memref<1024xi32, #tpu.memory_space<vmem>> -> memref<8xi32, #tpu.memory_space<vmem>>
        %dma_start3A_314 = arith.constant 0 : i32
        %dma_start3A_315 = arith.constant 0 : i32
        %dma_start3A_316 = tpu.memref_slice %arg3[%dma_start3A_314, %dma_start3A_315] : memref<8192x1024xf32, #tpu.memory_space<hbm>> -> memref<8192x1024xf32, #tpu.memory_space<hbm>>
        tpu.enqueue_indirect_dma source(%dma_start3A_316 : memref<8192x1024xf32, #tpu.memory_space<hbm>>) target(%arg8 : memref<8x1024xf32, #tpu.memory_space<vmem>>) offsets(%dma_start3A_313 : memref<8xi32, #tpu.memory_space<vmem>>) semaphore(%arg16 : memref<!tpu.dma_semaphore, #tpu.memory_space<semaphore_mem>>)
      } else {
      }
      %add3A_257 = arith.constant 8 : i32
      %add3A_258 = arith.addi %mul3A_96, %add3A_257 : i32
      %add3A_259 = arith.constant 3 : i32
      %add3A_260 = arith.addi %add3A_258, %add3A_259 : i32
      %lt3A_261 = arith.constant 128 : i32
      %lt3A_262 = arith.cmpi slt, %add3A_260, %lt3A_261 : i32
      %convert_element_type3A_263 = arith.extui %lt3A_262 : i1 to i32
      %cond3A_264 = arith.constant 0 : i32
      %cond3A_265 = arith.cmpi ne, %convert_element_type3A_263, %cond3A_264 : i32
      scf.if %cond3A_265 {
        %add3A_302 = arith.constant 3 : i32
        %add3A_303 = arith.addi %mul3A_96, %add3A_302 : i32
        %mul3A_304 = arith.constant 8 : i32
        %mul3A_305 = arith.muli %add3A_303, %mul3A_304 : i32
        %add3A_306 = arith.addi %mul3A_2, %mul3A_305 : i32
        %dma_wait3A_307 = arith.constant 0 : i32
        %dma_wait3A_308 = tpu.memref_slice %arg4[%add3A_306, %dma_wait3A_307] : memref<32768x1024xf32, #tpu.memory_space<hbm>> -> memref<8x1024xf32, #tpu.memory_space<hbm>>
        %dma_wait3A_309 = arith.constant 0 : i32
        %dma_wait3A_310 = tpu.memref_slice %arg4[%add3A_306, %dma_wait3A_309] : memref<32768x1024xf32, #tpu.memory_space<hbm>> -> memref<8x1024xf32, #tpu.memory_space<hbm>>
        tpu.wait_dma2 semaphore(%arg25 : memref<!tpu.dma_semaphore, #tpu.memory_space<semaphore_mem>>) src(%arg9 : memref<8x1024xf32, #tpu.memory_space<vmem>>) dst(%dma_wait3A_310 : memref<8x1024xf32, #tpu.memory_space<hbm>>)
        %mul3A_311 = arith.constant 8 : i32
        %mul3A_312 = arith.muli %add3A_260, %mul3A_311 : i32
        %dma_start3A_313 = tpu.memref_slice %arg5[%mul3A_312] : memref<1024xi32, #tpu.memory_space<vmem>> -> memref<8xi32, #tpu.memory_space<vmem>>
        %dma_start3A_314 = arith.constant 0 : i32
        %dma_start3A_315 = arith.constant 0 : i32
        %dma_start3A_316 = tpu.memref_slice %arg3[%dma_start3A_314, %dma_start3A_315] : memref<8192x1024xf32, #tpu.memory_space<hbm>> -> memref<8192x1024xf32, #tpu.memory_space<hbm>>
        tpu.enqueue_indirect_dma source(%dma_start3A_316 : memref<8192x1024xf32, #tpu.memory_space<hbm>>) target(%arg9 : memref<8x1024xf32, #tpu.memory_space<vmem>>) offsets(%dma_start3A_313 : memref<8xi32, #tpu.memory_space<vmem>>) semaphore(%arg17 : memref<!tpu.dma_semaphore, #tpu.memory_space<semaphore_mem>>)
      } else {
      }
      %add3A_266 = arith.constant 8 : i32
      %add3A_267 = arith.addi %mul3A_96, %add3A_266 : i32
      %add3A_268 = arith.constant 4 : i32
      %add3A_269 = arith.addi %add3A_267, %add3A_268 : i32
      %lt3A_270 = arith.constant 128 : i32
      %lt3A_271 = arith.cmpi slt, %add3A_269, %lt3A_270 : i32
      %convert_element_type3A_272 = arith.extui %lt3A_271 : i1 to i32
      %cond3A_273 = arith.constant 0 : i32
      %cond3A_274 = arith.cmpi ne, %convert_element_type3A_272, %cond3A_273 : i32
      scf.if %cond3A_274 {
        %add3A_302 = arith.constant 4 : i32
        %add3A_303 = arith.addi %mul3A_96, %add3A_302 : i32
        %mul3A_304 = arith.constant 8 : i32
        %mul3A_305 = arith.muli %add3A_303, %mul3A_304 : i32
        %add3A_306 = arith.addi %mul3A_2, %mul3A_305 : i32
        %dma_wait3A_307 = arith.constant 0 : i32
        %dma_wait3A_308 = tpu.memref_slice %arg4[%add3A_306, %dma_wait3A_307] : memref<32768x1024xf32, #tpu.memory_space<hbm>> -> memref<8x1024xf32, #tpu.memory_space<hbm>>
        %dma_wait3A_309 = arith.constant 0 : i32
        %dma_wait3A_310 = tpu.memref_slice %arg4[%add3A_306, %dma_wait3A_309] : memref<32768x1024xf32, #tpu.memory_space<hbm>> -> memref<8x1024xf32, #tpu.memory_space<hbm>>
        tpu.wait_dma2 semaphore(%arg26 : memref<!tpu.dma_semaphore, #tpu.memory_space<semaphore_mem>>) src(%arg10 : memref<8x1024xf32, #tpu.memory_space<vmem>>) dst(%dma_wait3A_310 : memref<8x1024xf32, #tpu.memory_space<hbm>>)
        %mul3A_311 = arith.constant 8 : i32
        %mul3A_312 = arith.muli %add3A_269, %mul3A_311 : i32
        %dma_start3A_313 = tpu.memref_slice %arg5[%mul3A_312] : memref<1024xi32, #tpu.memory_space<vmem>> -> memref<8xi32, #tpu.memory_space<vmem>>
        %dma_start3A_314 = arith.constant 0 : i32
        %dma_start3A_315 = arith.constant 0 : i32
        %dma_start3A_316 = tpu.memref_slice %arg3[%dma_start3A_314, %dma_start3A_315] : memref<8192x1024xf32, #tpu.memory_space<hbm>> -> memref<8192x1024xf32, #tpu.memory_space<hbm>>
        tpu.enqueue_indirect_dma source(%dma_start3A_316 : memref<8192x1024xf32, #tpu.memory_space<hbm>>) target(%arg10 : memref<8x1024xf32, #tpu.memory_space<vmem>>) offsets(%dma_start3A_313 : memref<8xi32, #tpu.memory_space<vmem>>) semaphore(%arg18 : memref<!tpu.dma_semaphore, #tpu.memory_space<semaphore_mem>>)
      } else {
      }
      %add3A_275 = arith.constant 8 : i32
      %add3A_276 = arith.addi %mul3A_96, %add3A_275 : i32
      %add3A_277 = arith.constant 5 : i32
      %add3A_278 = arith.addi %add3A_276, %add3A_277 : i32
      %lt3A_279 = arith.constant 128 : i32
      %lt3A_280 = arith.cmpi slt, %add3A_278, %lt3A_279 : i32
      %convert_element_type3A_281 = arith.extui %lt3A_280 : i1 to i32
      %cond3A_282 = arith.constant 0 : i32
      %cond3A_283 = arith.cmpi ne, %convert_element_type3A_281, %cond3A_282 : i32
      scf.if %cond3A_283 {
        %add3A_302 = arith.constant 5 : i32
        %add3A_303 = arith.addi %mul3A_96, %add3A_302 : i32
        %mul3A_304 = arith.constant 8 : i32
        %mul3A_305 = arith.muli %add3A_303, %mul3A_304 : i32
        %add3A_306 = arith.addi %mul3A_2, %mul3A_305 : i32
        %dma_wait3A_307 = arith.constant 0 : i32
        %dma_wait3A_308 = tpu.memref_slice %arg4[%add3A_306, %dma_wait3A_307] : memref<32768x1024xf32, #tpu.memory_space<hbm>> -> memref<8x1024xf32, #tpu.memory_space<hbm>>
        %dma_wait3A_309 = arith.constant 0 : i32
        %dma_wait3A_310 = tpu.memref_slice %arg4[%add3A_306, %dma_wait3A_309] : memref<32768x1024xf32, #tpu.memory_space<hbm>> -> memref<8x1024xf32, #tpu.memory_space<hbm>>
        tpu.wait_dma2 semaphore(%arg27 : memref<!tpu.dma_semaphore, #tpu.memory_space<semaphore_mem>>) src(%arg11 : memref<8x1024xf32, #tpu.memory_space<vmem>>) dst(%dma_wait3A_310 : memref<8x1024xf32, #tpu.memory_space<hbm>>)
        %mul3A_311 = arith.constant 8 : i32
        %mul3A_312 = arith.muli %add3A_278, %mul3A_311 : i32
        %dma_start3A_313 = tpu.memref_slice %arg5[%mul3A_312] : memref<1024xi32, #tpu.memory_space<vmem>> -> memref<8xi32, #tpu.memory_space<vmem>>
        %dma_start3A_314 = arith.constant 0 : i32
        %dma_start3A_315 = arith.constant 0 : i32
        %dma_start3A_316 = tpu.memref_slice %arg3[%dma_start3A_314, %dma_start3A_315] : memref<8192x1024xf32, #tpu.memory_space<hbm>> -> memref<8192x1024xf32, #tpu.memory_space<hbm>>
        tpu.enqueue_indirect_dma source(%dma_start3A_316 : memref<8192x1024xf32, #tpu.memory_space<hbm>>) target(%arg11 : memref<8x1024xf32, #tpu.memory_space<vmem>>) offsets(%dma_start3A_313 : memref<8xi32, #tpu.memory_space<vmem>>) semaphore(%arg19 : memref<!tpu.dma_semaphore, #tpu.memory_space<semaphore_mem>>)
      } else {
      }
      %add3A_284 = arith.constant 8 : i32
      %add3A_285 = arith.addi %mul3A_96, %add3A_284 : i32
      %add3A_286 = arith.constant 6 : i32
      %add3A_287 = arith.addi %add3A_285, %add3A_286 : i32
      %lt3A_288 = arith.constant 128 : i32
      %lt3A_289 = arith.cmpi slt, %add3A_287, %lt3A_288 : i32
      %convert_element_type3A_290 = arith.extui %lt3A_289 : i1 to i32
      %cond3A_291 = arith.constant 0 : i32
      %cond3A_292 = arith.cmpi ne, %convert_element_type3A_290, %cond3A_291 : i32
      scf.if %cond3A_292 {
        %add3A_302 = arith.constant 6 : i32
        %add3A_303 = arith.addi %mul3A_96, %add3A_302 : i32
        %mul3A_304 = arith.constant 8 : i32
        %mul3A_305 = arith.muli %add3A_303, %mul3A_304 : i32
        %add3A_306 = arith.addi %mul3A_2, %mul3A_305 : i32
        %dma_wait3A_307 = arith.constant 0 : i32
        %dma_wait3A_308 = tpu.memref_slice %arg4[%add3A_306, %dma_wait3A_307] : memref<32768x1024xf32, #tpu.memory_space<hbm>> -> memref<8x1024xf32, #tpu.memory_space<hbm>>
        %dma_wait3A_309 = arith.constant 0 : i32
        %dma_wait3A_310 = tpu.memref_slice %arg4[%add3A_306, %dma_wait3A_309] : memref<32768x1024xf32, #tpu.memory_space<hbm>> -> memref<8x1024xf32, #tpu.memory_space<hbm>>
        tpu.wait_dma2 semaphore(%arg28 : memref<!tpu.dma_semaphore, #tpu.memory_space<semaphore_mem>>) src(%arg12 : memref<8x1024xf32, #tpu.memory_space<vmem>>) dst(%dma_wait3A_310 : memref<8x1024xf32, #tpu.memory_space<hbm>>)
        %mul3A_311 = arith.constant 8 : i32
        %mul3A_312 = arith.muli %add3A_287, %mul3A_311 : i32
        %dma_start3A_313 = tpu.memref_slice %arg5[%mul3A_312] : memref<1024xi32, #tpu.memory_space<vmem>> -> memref<8xi32, #tpu.memory_space<vmem>>
        %dma_start3A_314 = arith.constant 0 : i32
        %dma_start3A_315 = arith.constant 0 : i32
        %dma_start3A_316 = tpu.memref_slice %arg3[%dma_start3A_314, %dma_start3A_315] : memref<8192x1024xf32, #tpu.memory_space<hbm>> -> memref<8192x1024xf32, #tpu.memory_space<hbm>>
        tpu.enqueue_indirect_dma source(%dma_start3A_316 : memref<8192x1024xf32, #tpu.memory_space<hbm>>) target(%arg12 : memref<8x1024xf32, #tpu.memory_space<vmem>>) offsets(%dma_start3A_313 : memref<8xi32, #tpu.memory_space<vmem>>) semaphore(%arg20 : memref<!tpu.dma_semaphore, #tpu.memory_space<semaphore_mem>>)
      } else {
      }
      %add3A_293 = arith.constant 8 : i32
      %add3A_294 = arith.addi %mul3A_96, %add3A_293 : i32
      %add3A_295 = arith.constant 7 : i32
      %add3A_296 = arith.addi %add3A_294, %add3A_295 : i32
      %lt3A_297 = arith.constant 128 : i32
      %lt3A_298 = arith.cmpi slt, %add3A_296, %lt3A_297 : i32
      %convert_element_type3A_299 = arith.extui %lt3A_298 : i1 to i32
      %cond3A_300 = arith.constant 0 : i32
      %cond3A_301 = arith.cmpi ne, %convert_element_type3A_299, %cond3A_300 : i32
      scf.if %cond3A_301 {
        %add3A_302 = arith.constant 7 : i32
        %add3A_303 = arith.addi %mul3A_96, %add3A_302 : i32
        %mul3A_304 = arith.constant 8 : i32
        %mul3A_305 = arith.muli %add3A_303, %mul3A_304 : i32
        %add3A_306 = arith.addi %mul3A_2, %mul3A_305 : i32
        %dma_wait3A_307 = arith.constant 0 : i32
        %dma_wait3A_308 = tpu.memref_slice %arg4[%add3A_306, %dma_wait3A_307] : memref<32768x1024xf32, #tpu.memory_space<hbm>> -> memref<8x1024xf32, #tpu.memory_space<hbm>>
        %dma_wait3A_309 = arith.constant 0 : i32
        %dma_wait3A_310 = tpu.memref_slice %arg4[%add3A_306, %dma_wait3A_309] : memref<32768x1024xf32, #tpu.memory_space<hbm>> -> memref<8x1024xf32, #tpu.memory_space<hbm>>
        tpu.wait_dma2 semaphore(%arg29 : memref<!tpu.dma_semaphore, #tpu.memory_space<semaphore_mem>>) src(%arg13 : memref<8x1024xf32, #tpu.memory_space<vmem>>) dst(%dma_wait3A_310 : memref<8x1024xf32, #tpu.memory_space<hbm>>)
        %mul3A_311 = arith.constant 8 : i32
        %mul3A_312 = arith.muli %add3A_296, %mul3A_311 : i32
        %dma_start3A_313 = tpu.memref_slice %arg5[%mul3A_312] : memref<1024xi32, #tpu.memory_space<vmem>> -> memref<8xi32, #tpu.memory_space<vmem>>
        %dma_start3A_314 = arith.constant 0 : i32
        %dma_start3A_315 = arith.constant 0 : i32
        %dma_start3A_316 = tpu.memref_slice %arg3[%dma_start3A_314, %dma_start3A_315] : memref<8192x1024xf32, #tpu.memory_space<hbm>> -> memref<8192x1024xf32, #tpu.memory_space<hbm>>
        tpu.enqueue_indirect_dma source(%dma_start3A_316 : memref<8192x1024xf32, #tpu.memory_space<hbm>>) target(%arg13 : memref<8x1024xf32, #tpu.memory_space<vmem>>) offsets(%dma_start3A_313 : memref<8xi32, #tpu.memory_space<vmem>>) semaphore(%arg21 : memref<!tpu.dma_semaphore, #tpu.memory_space<semaphore_mem>>)
      } else {
      }
    }
    %scan3A_46 = arith.constant 16 : i32
    %add3A_47 = arith.constant 960 : i32
    %add3A_48 = arith.addi %mul3A_2, %add3A_47 : i32
    %dma_wait3A = arith.constant 0 : i32
    %dma_wait3A_49 = tpu.memref_slice %arg4[%add3A_48, %dma_wait3A] : memref<32768x1024xf32, #tpu.memory_space<hbm>> -> memref<8x1024xf32, #tpu.memory_space<hbm>>
    %dma_wait3A_50 = arith.constant 0 : i32
    %dma_wait3A_51 = tpu.memref_slice %arg4[%add3A_48, %dma_wait3A_50] : memref<32768x1024xf32, #tpu.memory_space<hbm>> -> memref<8x1024xf32, #tpu.memory_space<hbm>>
    tpu.wait_dma2 semaphore(%arg22 : memref<!tpu.dma_semaphore, #tpu.memory_space<semaphore_mem>>) src(%arg6 : memref<8x1024xf32, #tpu.memory_space<vmem>>) dst(%dma_wait3A_51 : memref<8x1024xf32, #tpu.memory_space<hbm>>)
    %add3A_52 = arith.constant 968 : i32
    %add3A_53 = arith.addi %mul3A_2, %add3A_52 : i32
    %dma_wait3A_54 = arith.constant 0 : i32
    %dma_wait3A_55 = tpu.memref_slice %arg4[%add3A_53, %dma_wait3A_54] : memref<32768x1024xf32, #tpu.memory_space<hbm>> -> memref<8x1024xf32, #tpu.memory_space<hbm>>
    %dma_wait3A_56 = arith.constant 0 : i32
    %dma_wait3A_57 = tpu.memref_slice %arg4[%add3A_53, %dma_wait3A_56] : memref<32768x1024xf32, #tpu.memory_space<hbm>> -> memref<8x1024xf32, #tpu.memory_space<hbm>>
    tpu.wait_dma2 semaphore(%arg23 : memref<!tpu.dma_semaphore, #tpu.memory_space<semaphore_mem>>) src(%arg7 : memref<8x1024xf32, #tpu.memory_space<vmem>>) dst(%dma_wait3A_57 : memref<8x1024xf32, #tpu.memory_space<hbm>>)
    %add3A_58 = arith.constant 976 : i32
    %add3A_59 = arith.addi %mul3A_2, %add3A_58 : i32
    %dma_wait3A_60 = arith.constant 0 : i32
    %dma_wait3A_61 = tpu.memref_slice %arg4[%add3A_59, %dma_wait3A_60] : memref<32768x1024xf32, #tpu.memory_space<hbm>> -> memref<8x1024xf32, #tpu.memory_space<hbm>>
    %dma_wait3A_62 = arith.constant 0 : i32
    %dma_wait3A_63 = tpu.memref_slice %arg4[%add3A_59, %dma_wait3A_62] : memref<32768x1024xf32, #tpu.memory_space<hbm>> -> memref<8x1024xf32, #tpu.memory_space<hbm>>
    tpu.wait_dma2 semaphore(%arg24 : memref<!tpu.dma_semaphore, #tpu.memory_space<semaphore_mem>>) src(%arg8 : memref<8x1024xf32, #tpu.memory_space<vmem>>) dst(%dma_wait3A_63 : memref<8x1024xf32, #tpu.memory_space<hbm>>)
    %add3A_64 = arith.constant 984 : i32
    %add3A_65 = arith.addi %mul3A_2, %add3A_64 : i32
    %dma_wait3A_66 = arith.constant 0 : i32
    %dma_wait3A_67 = tpu.memref_slice %arg4[%add3A_65, %dma_wait3A_66] : memref<32768x1024xf32, #tpu.memory_space<hbm>> -> memref<8x1024xf32, #tpu.memory_space<hbm>>
    %dma_wait3A_68 = arith.constant 0 : i32
    %dma_wait3A_69 = tpu.memref_slice %arg4[%add3A_65, %dma_wait3A_68] : memref<32768x1024xf32, #tpu.memory_space<hbm>> -> memref<8x1024xf32, #tpu.memory_space<hbm>>
    tpu.wait_dma2 semaphore(%arg25 : memref<!tpu.dma_semaphore, #tpu.memory_space<semaphore_mem>>) src(%arg9 : memref<8x1024xf32, #tpu.memory_space<vmem>>) dst(%dma_wait3A_69 : memref<8x1024xf32, #tpu.memory_space<hbm>>)
    %add3A_70 = arith.constant 992 : i32
    %add3A_71 = arith.addi %mul3A_2, %add3A_70 : i32
    %dma_wait3A_72 = arith.constant 0 : i32
    %dma_wait3A_73 = tpu.memref_slice %arg4[%add3A_71, %dma_wait3A_72] : memref<32768x1024xf32, #tpu.memory_space<hbm>> -> memref<8x1024xf32, #tpu.memory_space<hbm>>
    %dma_wait3A_74 = arith.constant 0 : i32
    %dma_wait3A_75 = tpu.memref_slice %arg4[%add3A_71, %dma_wait3A_74] : memref<32768x1024xf32, #tpu.memory_space<hbm>> -> memref<8x1024xf32, #tpu.memory_space<hbm>>
    tpu.wait_dma2 semaphore(%arg26 : memref<!tpu.dma_semaphore, #tpu.memory_space<semaphore_mem>>) src(%arg10 : memref<8x1024xf32, #tpu.memory_space<vmem>>) dst(%dma_wait3A_75 : memref<8x1024xf32, #tpu.memory_space<hbm>>)
    %add3A_76 = arith.constant 1000 : i32
    %add3A_77 = arith.addi %mul3A_2, %add3A_76 : i32
    %dma_wait3A_78 = arith.constant 0 : i32
    %dma_wait3A_79 = tpu.memref_slice %arg4[%add3A_77, %dma_wait3A_78] : memref<32768x1024xf32, #tpu.memory_space<hbm>> -> memref<8x1024xf32, #tpu.memory_space<hbm>>
    %dma_wait3A_80 = arith.constant 0 : i32
    %dma_wait3A_81 = tpu.memref_slice %arg4[%add3A_77, %dma_wait3A_80] : memref<32768x1024xf32, #tpu.memory_space<hbm>> -> memref<8x1024xf32, #tpu.memory_space<hbm>>
    tpu.wait_dma2 semaphore(%arg27 : memref<!tpu.dma_semaphore, #tpu.memory_space<semaphore_mem>>) src(%arg11 : memref<8x1024xf32, #tpu.memory_space<vmem>>) dst(%dma_wait3A_81 : memref<8x1024xf32, #tpu.memory_space<hbm>>)
    %add3A_82 = arith.constant 1008 : i32
    %add3A_83 = arith.addi %mul3A_2, %add3A_82 : i32
    %dma_wait3A_84 = arith.constant 0 : i32
    %dma_wait3A_85 = tpu.memref_slice %arg4[%add3A_83, %dma_wait3A_84] : memref<32768x1024xf32, #tpu.memory_space<hbm>> -> memref<8x1024xf32, #tpu.memory_space<hbm>>
    %dma_wait3A_86 = arith.constant 0 : i32
    %dma_wait3A_87 = tpu.memref_slice %arg4[%add3A_83, %dma_wait3A_86] : memref<32768x1024xf32, #tpu.memory_space<hbm>> -> memref<8x1024xf32, #tpu.memory_space<hbm>>
    tpu.wait_dma2 semaphore(%arg28 : memref<!tpu.dma_semaphore, #tpu.memory_space<semaphore_mem>>) src(%arg12 : memref<8x1024xf32, #tpu.memory_space<vmem>>) dst(%dma_wait3A_87 : memref<8x1024xf32, #tpu.memory_space<hbm>>)
    %add3A_88 = arith.constant 1016 : i32
    %add3A_89 = arith.addi %mul3A_2, %add3A_88 : i32
    %dma_wait3A_90 = arith.constant 0 : i32
    %dma_wait3A_91 = tpu.memref_slice %arg4[%add3A_89, %dma_wait3A_90] : memref<32768x1024xf32, #tpu.memory_space<hbm>> -> memref<8x1024xf32, #tpu.memory_space<hbm>>
    %dma_wait3A_92 = arith.constant 0 : i32
    %dma_wait3A_93 = tpu.memref_slice %arg4[%add3A_89, %dma_wait3A_92] : memref<32768x1024xf32, #tpu.memory_space<hbm>> -> memref<8x1024xf32, #tpu.memory_space<hbm>>
    tpu.wait_dma2 semaphore(%arg29 : memref<!tpu.dma_semaphore, #tpu.memory_space<semaphore_mem>>) src(%arg13 : memref<8x1024xf32, #tpu.memory_space<vmem>>) dst(%dma_wait3A_93 : memref<8x1024xf32, #tpu.memory_space<hbm>>)
    return
  }
}

</mosaic_0001>

<sc_bundles>
// kernel: kernel.3.cloned.1.call-start
scs
__scs_entry_jumppad:
0x0: {  	(pc) =	sbr.rel $0x88, $3  }
0x1: {  	(tag) =	ssettag $0x0;
	lr =	simm.s32 $0x1  }
0x2: {  	[smem:$0x3F9F] =	sst lr;
	_ =	strace $0xD0000000  }
0x3: {  	_ = 	snop  }
0x4: {  	_ = 	snop  }
0x5: {  	_ = 	snop  }
0x6: {  	_ = 	snop  }
0x7: {  	_ = 	snop  }
__scs_overlays_trampoline_lowered:
0x8: {  	[smem:$0x3FAE] =	sst s0  }
0x9: {  	[smem:$0x3FAF] =	sst s1  }
0xa: {  	[smem:$0x3FB0] =	sst s2  }
0xb: {  	[smem:$0x3FB1] =	sst s3  }
0xc: {  	[smem:$0x3FB2] =	sst s4  }
0xd: {  	[smem:$0x3FB3] =	sst s5  }
0xe: {  	[smem:$0x3FB4] =	sst s6  }
0xf: {  	[smem:$0x3FB5] =	sst s7  }
0x10: {  	[smem:$0x3FB6] =	sst s8  }
0x11: {  	[smem:$0x3FB7] =	sst s9;
	s0 =	simm.s32 @!p0 $0x0  }
0x12: {  	s1 =	sld [smem:$0x3F9D];
	s0 =	simm.s32 @p0 $0x1  }
0x13: {  	[smem:$0x3FB8] =	sst s0;
	s0 =	simm.s32 @!p1 $0x0  }
0x14: {  	s2 =	sld [smem:$0x3F9C];
	s0 =	simm.s32 @p1 $0x1  }
0x15: {  	[smem:$0x3FB9] =	sst s0;
	s0 =	simm.s32 @!p2 $0x0  }
0x16: {  	s3 =	sld [smem:$0x3FDB];
	s0 =	simm.s32 @p2 $0x1  }
0x17: {  	s4 =	simm.s32 $0x1BF5;
	[smem:$0x3FBB] =	sst s0  }
0x18: {  	s0 =	sld [smem:$0x3F9E];
	_ =	swait.ge [sflag:s4], $0x0  }
0x19: {  	s7 =	sld [smem:$0x3F9F]  }
0x1a: {  	s8 =	sadd.s32 $0xFFFFE003, lr  }
0x1b: {  	s9 =	sadd.s32 $0xFFFFFEF7, lr;
	s5 =	simm.s32 $0xFFFFFFFF;
	p2 =	slt.u32 s8, $0xFFFFF086  }
0x1c: {  	p1 =	slt.u32 s9, $0xF7A;
	s5 =	simm.s32 @!p2 $0x0  }
0x1d: {  	s5 =	simm.s32 @p1 $0x1;
	p0 =	seq.s32 s7, s2  }
0x1e: {  	s7 =	smul.u32 @!p0 $0xF7A, s2;
	p2 =	seq.s32 @!p0 s5, $0x0  }
0x1f: {  	s9 =	smul.u32 $0xF7A, s1;
	s8 =	simm.s32 @!p0 $0x1BF5;
	p2 =	por !p2, p0  }
0x20: {  	[sflag:s8] =	ssyncset.s32 @!p0 $0xFFFFF086;
	s6 =	sadd.s32 @!p0 s3, s7;
	s7 =	simm.s32 @!p0 $0x108  }
0x21: {  	s3 =	sadd.s32 s3, s9;
	s6 =	sadd.s32 @!p0 $0x88, s6;
	s7 =	simm.s32 @p2 $0x1082  }
0x22: {  	[simem:s7], [sflag:s8] =	dma.local @!p0 [hbm:s6], $0xF7A  }
0x23: {  	s9 =	sor.u32 $0xD0000000, s2;
	s6 =	simm.s32 $0x108;
	_ =	swait.ge @!p0 [sflag:s8], $0x0  }
0x24: {  	s3 =	sadd.s32 $0x88, s3;
	s6 =	simm.s32 @!p1 $0x1082;
	[sflag:s4] =	ssyncset.s32 $0xFFFFF086  }
0x25: {  	[simem:s6], [sflag:s4] =	dma.local [hbm:s3], $0xF7A  }
0x26: {  	[smem:$0x3F9F] =	sst s1;
	(tag) =	ssettag s2;
	_ =	strace s9  }
0x27: {  	s1 =	sld [smem:$0x3FAF]  }
0x28: {  	s2 =	sld [smem:$0x3FB0]  }
0x29: {  	s4 =	sld [smem:$0x3FB2]  }
0x2a: {  	p0 =	seq.s32 s5, $0x0;
	s5 =	sld [smem:$0x3FB3]  }
0x2b: {  	s6 =	sld [smem:$0x3FB4]  }
0x2c: {  	s7 =	sld [smem:$0x3FB5]  }
0x2d: {  	s3 =	simm.s32 $0x108;
	s8 =	sld [smem:$0x3FB6]  }
0x2e: {  	s3 =	simm.s32 @!p0 $0x1082;
	s9 =	sld [smem:$0x3FB7]  }
0x2f: {  	lr =	sadd.s32 s0, s3;
	s0 =	sld [smem:$0x3FAE]  }
0x30: {  	s3 =	sld [smem:$0x3FB1]  }
0x31: {  	[smem:$0x3FBA] =	sst s10  }
0x32: {  	s10 =	sld [smem:$0x3FB8];
	_ =	sdelay $0x3  }
0x33: {  	p0 =	seq.s32 s10, $0x1;
	s10 =	sld [smem:$0x3FBA];
	_ =	sdelay $0x3  }
0x34: {  	[smem:$0x3FBA] =	sst s10  }
0x35: {  	s10 =	sld [smem:$0x3FB9];
	_ =	sdelay $0x3  }
0x36: {  	p1 =	seq.s32 s10, $0x1;
	s10 =	sld [smem:$0x3FBA];
	_ =	sdelay $0x3  }
0x37: {  	[smem:$0x3FBA] =	sst s10  }
0x38: {  	s10 =	sld [smem:$0x3FBB]  }
0x39: {  	_ = 	snop;
	(pc) =	sbr.ind lr, $3  }
0x3a: {  	_ = 	snop  }
0x3b: {  	_ = 	snop  }
0x3c: {  	p2 =	seq.s32 s10, $0x1;
	s10 =	sld [smem:$0x3FBA]  }
0x3d: {  	_ =	shalt  }
0x3e: {  	_ =	shalt  }
0x3f: {  	_ =	shalt  }
0x40: {  	_ =	shalt  }
0x41: {  	_ =	shalt  }
0x42: {  	_ =	shalt  }
0x43: {  	_ =	shalt  }
0x44: {  	_ =	shalt  }
0x45: {  	_ =	shalt  }
0x46: {  	_ =	shalt  }
0x47: {  	_ =	shalt  }
0x48: {  	_ =	shalt  }
0x49: {  	_ =	shalt  }
0x4a: {  	_ =	shalt  }
0x4b: {  	_ =	shalt  }
0x4c: {  	_ =	shalt  }
0x4d: {  	_ =	shalt  }
0x4e: {  	_ =	shalt  }
0x4f: {  	_ =	shalt  }
0x50: {  	_ =	shalt  }
0x51: {  	_ =	shalt  }
0x52: {  	_ =	shalt  }
0x53: {  	_ =	shalt  }
0x54: {  	_ =	shalt  }
0x55: {  	_ =	shalt  }
0x56: {  	_ =	shalt  }
0x57: {  	_ =	shalt  }
0x58: {  	_ =	shalt  }
0x59: {  	_ =	shalt  }
0x5a: {  	_ =	shalt  }
0x5b: {  	_ =	shalt  }
0x5c: {  	_ =	shalt  }
0x5d: {  	_ =	shalt  }
0x5e: {  	_ =	shalt  }
0x5f: {  	_ =	shalt  }
0x60: {  	_ =	shalt  }
0x61: {  	_ =	shalt  }
0x62: {  	_ =	shalt  }
0x63: {  	_ =	shalt  }
0x64: {  	_ =	shalt  }
0x65: {  	_ =	shalt  }
0x66: {  	_ =	shalt  }
0x67: {  	_ =	shalt  }
0x68: {  	_ =	shalt  }
0x69: {  	_ =	shalt  }
0x6a: {  	_ =	shalt  }
0x6b: {  	_ =	shalt  }
0x6c: {  	_ =	shalt  }
0x6d: {  	_ =	shalt  }
0x6e: {  	_ =	shalt  }
0x6f: {  	_ =	shalt  }
0x70: {  	_ =	shalt  }
0x71: {  	_ =	shalt  }
0x72: {  	_ =	shalt  }
0x73: {  	_ =	shalt  }
0x74: {  	_ =	shalt  }
0x75: {  	_ =	shalt  }
0x76: {  	_ =	shalt  }
0x77: {  	_ =	shalt  }
0x78: {  	_ =	shalt  }
0x79: {  	_ =	shalt  }
0x7a: {  	_ =	shalt  }
0x7b: {  	_ =	shalt  }
0x7c: {  	_ =	shalt  }
0x7d: {  	_ =	shalt  }
0x7e: {  	_ =	shalt  }
0x7f: {  	_ =	shalt  }
0x80: {  	_ =	shalt  }
0x81: {  	_ =	shalt  }
0x82: {  	_ =	shalt  }
0x83: {  	_ =	shalt  }
0x84: {  	_ =	shalt  }
0x85: {  	_ =	shalt  }
0x86: {  	_ =	shalt  }
0x87: {  	_ =	shalt  }
.Lfunc_end0:
.L_simem_size_0:
called_computation_lowered:
.L_overlay_start_0:
0x88: {  	s2 =	sld [smem:$0x3FD9]  }
0x89: {  	s3 =	sld [smem:$0x3FFE];
	_ =	sdelay $0x1  }
0x8a: {  	s1 =	srdreg.scid  }
0x8b: {  	s0 =	sand.u32 $0x1, s1  }
0x8c: {  	s17 =	sshll.u32 s0, $0xA;
	s2 =	sadd.s32 s3, s2  }
0x8d: {  	s2 =	sadd.s32 s2, s17  }
0x8e: {  	[smem:$0x3FC6] =	sst s2  }
0x8f: {  	_ = 	snop  }
0x90: {  	s2 =	sld [smem:$0x3FC8]  }
0x91: {  	s18 =	sld [smem:$0x3FD0];
	(tm) =	ssettm $0x1  }
0x92: {  	s4 =	sld [smem:$0x3FFB];
	_ =	sdelay $0x3  }
0x93: {  	_ =	strace s4  }
0x94: {  	s4 =	sld [smem:$0x3FFC];
	_ =	sdelay $0x3  }
0x95: {  	_ =	strace s4  }
0x96: {  	s4 =	sld [smem:$0x3FFD];
	_ =	sdelay $0x3  }
0x97: {  	_ =	strace s4  }
0x98: {  	_ =	strace $0x8FFFFFFF  }
0x99: {  	s19 =	sld [smem:$0x3FDB];
	_ =	sdelay $0x1  }
0x9a: {  	s5 =	simm.s32 $_scs_section_size  }
0x9b: {  	s6 =	simm.s32 $_size__tile_overlayer_lowered;
	s7 =	simm.s32 $_tile_overlayer_lowered  }
0x9c: {  	s22 =	simm.s32 $0x1BFF;
	s21 =	sshll.u32 s7, $0x1;
	s4 =	sadd.s32 s5, s19  }
0x9d: {  	s8 =	simm.s32 $0x0;
	s20 =	sshll.u32 s6, $0x1;
	s6 =	sadd.s32 s21, s4  }
0x9e: {  	[timem:s8], [sflag:s22] =	dma.local [hbm:s6], s20  }
0x9f: {  	_ =	swait.ge [sflag:s22], s20  }
0xa0: {  	s5 =	ssub.s32 $0x0, s20;
	[sflag:s22] =	ssyncset.done $0x0  }
0xa1: {  	[sflag:s22] =	ssyncadd.s32 s5;
	_ =	sdelay $0x1  }
0xa2: {  	s23 =	simm.s32 $0x1B8B  }
0xa3: {  	_ =	swait.ge [sflag:s23], $0x1  }
0xa4: {  	[sflag:s23] =	ssyncset.done $0x0  }
0xa5: {  	s25 =	simm.s32 $0x1B8E;
	s24 =	sld [smem:$0x3FFE];
	[sflag:s23] =	ssyncadd.s32 $0xFFFFFFFF  }
0xa6: {  	s26 =	simm.s32 $execute0_lowered;
	[smem:$0x3FD2] =	sst s25  }
0xa7: {  	s6 =	sshll.u32 s26, $0x1;
	_ =	strace $0x80000046;
	[dreg:$0x1] =	wrdreg $0xFFFFFFFF  }
0xa8: {  	s28 =	simm.s32 $_size_execute0_lowered;
	s4 =	sadd.s32 s4, s6;
	[dreg:$0x0] =	wrdreg $0x0  }
0xa9: {  	s6 =	sshll.u32 s28, $0x1;
	[dreg:$0x2] =	wrdreg s4  }
0xaa: {  	[dreg:$0x3] =	wrdreg s6  }
0xab: {  	[dreg:$0x4] =	wrdreg $0xC0  }
0xac: {  	_ =	task [dreg:s8], $0x5FFFF  }
0xad: {  	[dreg:$0x1] =	wrdreg $0xFFFFFFFF  }
0xae: {  	[dreg:$0x0] =	wrdreg $0x60  }
0xaf: {  	[dreg:$0x2] =	wrdreg s24  }
0xb0: {  	[dreg:$0x3] =	wrdreg s2  }
0xb1: {  	[dreg:$0x4] =	wrdreg s18  }
0xb2: {  	[dreg:$0x5] =	wrdreg $0x9  }
0xb3: {  	_ =	task.clear_ibuf [dreg:s8], $0x6FFFF;
	_ =	strace $0x90000046  }
0xb4: {  	s29 =	simm.s32 $0x9;
	_ =	strace $0x80000048  }
0xb5: {  	_ =	swait.ge [sflag:s29], $0x1  }
0xb6: {  	[sflag:s29] =	ssyncadd.s32 $0xFFFFFFFF  }
0xb7: {  	_ =	strace $0x90000048  }
0xb8: {  	_ =	sfence  }
0xb9: {  	s30 =	sld [smem:$0x0];
	_ =	sdelay $0x2  }
0xba: {  	s31 =	sshll.u32 s1, $0xD;
	s1 =	sshrl.u32 s1, $0x2  }
0xbb: {  	s3 =	sand.u32 $0x4000, s31;
	s1 =	sadd.s32 s1, s30  }
0xbc: {  	s0 =	sor.u32 s3, s0;
	s1 =	sshll.u32 s1, $0x11  }
0xbd: {  	s0 =	sor.u32 s1, s0  }
0xbe: {  	s0 =	sadd.s32 $0x8F2B, s0  }
0xbf: {  	[sflag:s0] =	ssyncadd.remote.s32 $0x1  }
0xc0: {  	_ =	sfence.sel $0xFFFF  }
0xc1: {  	[dreg:$0x0] =	wrdreg $0xFFFFFFFF;
	(pc) =	sbr.abs _section_cstart, $3  }
0xc2: {  	[dreg:$0x1] =	wrdreg $0xFFFFFFFF  }
0xc3: {  	_ =	task.clear_ibuf [dreg:s8], $0x2FFFF;
	_ =	strace $0x9FFFFFFF  }
0xc4: {  	(tm) =	ssettm $0x7FFFFFFF  }
0xc5: {  	_ =	shalt  }
tec
execute0_lowered:
.L_overlay_start_1:
0x0: {  	(tag) =	ssettag $0x1  }
0x1: {  	s0 =	rddreg [dreg:$0x0]  }
0x2: {  	s1 =	srdreg.scid;
	s2 =	rddreg [dreg:$0x1]  }
0x3: {  	s9 =	stileid.u32;
	s4 =	rddreg [dreg:$0x2]  }
0x4: {  	s3 =	simm.s32 $0x0;
	s15 =	simm.s32 $0x400;
	s11 =	simm.s32 $0x2400  }
0x5: {  	s19 =	simm.s32 $0x4400;
	s10 =	simm.s32 $0x8400;
	s16 =	simm.s32 $0xA400  }
0x6: {  	s29 =	simm.s32 $0x6;
	s30 =	simm.s32 $0x7;
	s31 =	simm.s32 $0x8  }
0x7: {  	s12 =	simm.s32 $0xC;
	s13 =	simm.s32 $0xD;
	s14 =	simm.s32 $0xE  }
0x8: {  	s17 =	simm.s32 $0xF;
	s18 =	simm.s32 $0x10;
	s20 =	simm.s32 $0x0  }
0x9: {  	s23 =	simm.s32 $0x2400;
	s28 =	simm.s32 $0x4400;
	s1 =	sand.u32 $0x1, s1  }
0xa: {  	s5 =	sshll.u32 s9, $0xB;
	[smem:$0x7FF] =	sst s3;
	s7 =	sadd.s32 $0x300, s2  }
0xb: {  	s26 =	sshll.u32 s9, $0x12;
	s6 =	sshll.u32 s1, $0xA;
	s24 =	ssub.s32 $0x2, s1  }
0xc: {  	_ =	strace $0x80000047;
	s1 =	sshll.u32 s1, $0x11;
	s5 =	sor.u32 s6, s5  }
0xd: {  	s25 =	sshrl.u32 s24, $0x1;
	s6 =	sadd.s32 $0x200, s2;
	s5 =	sshrl.u32 s5, $0x3  }
0xe: {  	s8 =	ssub.s32 s24, s25;
	s24 =	simm.s32 $0x3;
	s25 =	simm.s32 $0x4  }
.Ltmp0:
0xf: {  	s0 =	sadd.s32 s5, s0;
	s8 =	smax.u32 s8, $0x1;
	(pc) =	sbr.rel .LBB2_1-.Ltmp0, $4  }
0x10: {  	s5 =	sadd.s32 $0x100, s2;
	s0 =	sadd.s32 $0x400, s0;
	[dreg:$0x5] =	wrdreg s8  }
0x11: {  	v0 =	vlaneseq.u32;
	s8 =	simm.s32 $0xB;
	[dreg:$0x4] =	wrdreg s0;
	s0 =	sadd.s32 s26, s4  }
0x12: {  	v1 =	vshrl.u32 v0, $0x3;
	s26 =	simm.s32 $0x5;
	s4 =	simm.s32 $0xA;
	s0 =	sadd.s32 s1, s0  }
0x13: {  	vm0 =	vmmov $0xffff;
	v0 =	vand.u32 $0x7, v0;
	v1 =	vmul.u32 $0x8, v1;
	s1 =	simm.s32 $0x6400;
	[dreg:$0x6] =	wrdreg s0;
	s0 =	simm.s32 $0x9  }
.LBB2_4:
0x14: {  	_ =	swait.ge [sflag:s0], $0x2000  }
0x15: {  	[sflag:s0] =	ssyncset.done $0x0  }
0x16: {  	[sflag:s0] =	ssyncadd.s32 $0xFFFFE000  }
0x17: {  	_ =	swait.ge [sflag:s4], $0x2000  }
0x18: {  	[sflag:s4] =	ssyncset.done $0x0  }
0x19: {  	[sflag:s4] =	ssyncadd.s32 $0xFFFFE000  }
0x1a: {  	_ =	swait.ge [sflag:s8], $0x2000  }
0x1b: {  	[sflag:s8] =	ssyncset.done $0x0  }
0x1c: {  	[sflag:s8] =	ssyncadd.s32 $0xFFFFE000  }
0x1d: {  	_ =	swait.ge [sflag:s12], $0x2000  }
0x1e: {  	[sflag:s12] =	ssyncset.done $0x0  }
0x1f: {  	[sflag:s12] =	ssyncadd.s32 $0xFFFFE000  }
0x20: {  	_ =	swait.ge [sflag:s13], $0x2000  }
0x21: {  	[sflag:s13] =	ssyncset.done $0x0  }
0x22: {  	[sflag:s13] =	ssyncadd.s32 $0xFFFFE000  }
0x23: {  	_ =	swait.ge [sflag:s14], $0x2000  }
0x24: {  	[sflag:s14] =	ssyncset.done $0x0  }
0x25: {  	[sflag:s14] =	ssyncadd.s32 $0xFFFFE000  }
0x26: {  	_ =	swait.ge [sflag:s17], $0x2000  }
0x27: {  	[sflag:s17] =	ssyncset.done $0x0  }
0x28: {  	[sflag:s17] =	ssyncadd.s32 $0xFFFFE000  }
0x29: {  	_ =	swait.ge [sflag:s18], $0x2000  }
0x2a: {  	s20 =	rddreg [dreg:$0x7]  }
0x2b: {  	s9 =	rddreg [dreg:$0x5];
	s20 =	sadd.s32 $0x1, s20  }
0x2c: {  	p0 =	sne.s32 s20, s9  }
.Ltmp1:
0x2d: {  	_ = 	snop;
	(pc) =	sbr.rel @!p0 .LBB2_5-.Ltmp1, $4  }
0x2e: {  	_ = 	snop  }
0x2f: {  	s15 =	simm.s32 $0x400;
	s11 =	simm.s32 $0x2400  }
0x30: {  	s19 =	simm.s32 $0x4400;
	s1 =	simm.s32 $0x6400;
	[sflag:s18] =	ssyncset.done $0x0  }
0x31: {  	s10 =	simm.s32 $0x8400;
	s16 =	simm.s32 $0xA400;
	[sflag:s18] =	ssyncadd.s32 $0xFFFFE000  }
.LBB2_1:
0x32: {  	[dreg:$0x7] =	wrdreg s20  }
0x33: {  	s9 =	rddreg [dreg:$0x4];
	s22 =	simm.s32 $0x11  }
0x34: {  	[tilespmem:s3], [sflag:$0x11] =	stream.linear.gather [hbm4b:s9+s3], $0x400, $0x38;
	[tilespmem:$0x10400] =	vst v63  }
0x35: {  	_ =	swait.ge [sflag:s22], $0x400  }
0x36: {  	[sflag:s22] =	ssyncset.done $0x0  }
0x37: {  	[sflag:s22] =	ssyncadd.s32 $0xFFFFFC00  }
0x38: {  	v2 =	vld.msk [tilespmem:$0x0], $0xff;
	_ =	sdelay $0x4  }
0x39: {  	v3 =	vshll.u32 v2, $0x3  }
0x3a: {  	v2 =	vand.u32 $0x7, v2;
	v3 =	vand.u32 $0xFFFFFFC0, v3  }
0x3b: {  	v2 =	vor.u32 v2, v3  }
0x3c: {  	v2 =	vperm.xlane v2, v0;
	_ =	sdelay $0x1  }
0x3d: {  	v2 =	vadd.s32 v1, v2;
	_ =	sdelay $0x4  }
0x3e: {  	[tilespmem:s15], [sflag:$0x1] =	stream.indirect_vreg.gather [hbm4b:s2+s3], $0x80, v2, vm0, $0xb8;
	[tilespmem:$0x10400] =	vst v63  }
0x3f: {  	s20 =	simm.s32 $0xC00  }
0x40: {  	[tilespmem:s20], [sflag:$0x1] =	stream.indirect_vreg.gather [hbm4b:s5+s3], $0x80, v2, vm0, $0xb8;
	[tilespmem:$0x10400] =	vst v63  }
0x41: {  	s21 =	simm.s32 $0x1400  }
0x42: {  	[tilespmem:s21], [sflag:$0x1] =	stream.indirect_vreg.gather [hbm4b:s6+s3], $0x80, v2, vm0, $0xb8;
	[tilespmem:$0x10400] =	vst v63  }
0x43: {  	s22 =	simm.s32 $0x1C00  }
0x44: {  	[tilespmem:s22], [sflag:$0x1] =	stream.indirect_vreg.gather [hbm4b:s7+s3], $0x80, v2, vm0, $0xb8;
	[tilespmem:$0x10400] =	vst v63  }
0x45: {  	v2 =	vld.msk [tilespmem:$0x8], $0xff;
	_ =	sdelay $0x4  }
0x46: {  	v3 =	vshll.u32 v2, $0x3  }
0x47: {  	v2 =	vand.u32 $0x7, v2;
	v3 =	vand.u32 $0xFFFFFFC0, v3  }
0x48: {  	v2 =	vor.u32 v2, v3  }
0x49: {  	v2 =	vperm.xlane v2, v0;
	_ =	sdelay $0x1  }
0x4a: {  	v2 =	vadd.s32 v1, v2;
	_ =	sdelay $0x4  }
0x4b: {  	[tilespmem:s11], [sflag:$0x2] =	stream.indirect_vreg.gather [hbm4b:s2+s3], $0x80, v2, vm0, $0xb8;
	[tilespmem:$0x10400] =	vst v63  }
0x4c: {  	s20 =	simm.s32 $0x2C00  }
0x4d: {  	[tilespmem:s20], [sflag:$0x2] =	stream.indirect_vreg.gather [hbm4b:s5+s3], $0x80, v2, vm0, $0xb8;
	[tilespmem:$0x10400] =	vst v63  }
0x4e: {  	s21 =	simm.s32 $0x3400  }
0x4f: {  	[tilespmem:s21], [sflag:$0x2] =	stream.indirect_vreg.gather [hbm4b:s6+s3], $0x80, v2, vm0, $0xb8;
	[tilespmem:$0x10400] =	vst v63  }
0x50: {  	s22 =	simm.s32 $0x3C00  }
0x51: {  	[tilespmem:s22], [sflag:$0x2] =	stream.indirect_vreg.gather [hbm4b:s7+s3], $0x80, v2, vm0, $0xb8;
	[tilespmem:$0x10400] =	vst v63  }
0x52: {  	v2 =	vld.msk [tilespmem:$0x10], $0xff;
	_ =	sdelay $0x4  }
0x53: {  	v3 =	vshll.u32 v2, $0x3  }
0x54: {  	v2 =	vand.u32 $0x7, v2;
	v3 =	vand.u32 $0xFFFFFFC0, v3  }
0x55: {  	v2 =	vor.u32 v2, v3  }
0x56: {  	v2 =	vperm.xlane v2, v0;
	_ =	sdelay $0x1  }
0x57: {  	v2 =	vadd.s32 v1, v2;
	_ =	sdelay $0x4  }
0x58: {  	[tilespmem:s19], [sflag:$0x3] =	stream.indirect_vreg.gather [hbm4b:s2+s3], $0x80, v2, vm0, $0xb8;
	[tilespmem:$0x10400] =	vst v63  }
0x59: {  	s11 =	simm.s32 $0x4C00  }
0x5a: {  	[tilespmem:s11], [sflag:$0x3] =	stream.indirect_vreg.gather [hbm4b:s5+s3], $0x80, v2, vm0, $0xb8;
	[tilespmem:$0x10400] =	vst v63  }
0x5b: {  	s19 =	simm.s32 $0x5400  }
0x5c: {  	[tilespmem:s19], [sflag:$0x3] =	stream.indirect_vreg.gather [hbm4b:s6+s3], $0x80, v2, vm0, $0xb8;
	[tilespmem:$0x10400] =	vst v63  }
0x5d: {  	s20 =	simm.s32 $0x5C00  }
0x5e: {  	[tilespmem:s20], [sflag:$0x3] =	stream.indirect_vreg.gather [hbm4b:s7+s3], $0x80, v2, vm0, $0xb8;
	[tilespmem:$0x10400] =	vst v63  }
0x5f: {  	v2 =	vld.msk [tilespmem:$0x18], $0xff;
	_ =	sdelay $0x4  }
0x60: {  	v3 =	vshll.u32 v2, $0x3  }
0x61: {  	v2 =	vand.u32 $0x7, v2;
	v3 =	vand.u32 $0xFFFFFFC0, v3  }
0x62: {  	v2 =	vor.u32 v2, v3  }
0x63: {  	v2 =	vperm.xlane v2, v0;
	_ =	sdelay $0x1  }
0x64: {  	v2 =	vadd.s32 v1, v2;
	_ =	sdelay $0x4  }
0x65: {  	[tilespmem:s1], [sflag:$0x4] =	stream.indirect_vreg.gather [hbm4b:s2+s3], $0x80, v2, vm0, $0xb8;
	[tilespmem:$0x10400] =	vst v63  }
0x66: {  	s21 =	simm.s32 $0x6C00  }
0x67: {  	[tilespmem:s21], [sflag:$0x4] =	stream.indirect_vreg.gather [hbm4b:s5+s3], $0x80, v2, vm0, $0xb8;
	[tilespmem:$0x10400] =	vst v63  }
0x68: {  	s22 =	simm.s32 $0x7400  }
0x69: {  	[tilespmem:s22], [sflag:$0x4] =	stream.indirect_vreg.gather [hbm4b:s6+s3], $0x80, v2, vm0, $0xb8;
	[tilespmem:$0x10400] =	vst v63  }
0x6a: {  	s9 =	simm.s32 $0x7C00  }
0x6b: {  	[tilespmem:s9], [sflag:$0x4] =	stream.indirect_vreg.gather [hbm4b:s7+s3], $0x80, v2, vm0, $0xb8;
	[tilespmem:$0x10400] =	vst v63  }
0x6c: {  	v2 =	vld.msk [tilespmem:$0x20], $0xff;
	_ =	sdelay $0x4  }
0x6d: {  	v3 =	vshll.u32 v2, $0x3  }
0x6e: {  	v2 =	vand.u32 $0x7, v2;
	v3 =	vand.u32 $0xFFFFFFC0, v3  }
0x6f: {  	v2 =	vor.u32 v2, v3  }
0x70: {  	v2 =	vperm.xlane v2, v0;
	_ =	sdelay $0x1  }
0x71: {  	v2 =	vadd.s32 v1, v2;
	_ =	sdelay $0x4  }
0x72: {  	[tilespmem:s10], [sflag:$0x5] =	stream.indirect_vreg.gather [hbm4b:s2+s3], $0x80, v2, vm0, $0xb8;
	[tilespmem:$0x10400] =	vst v63  }
0x73: {  	s10 =	simm.s32 $0x8C00  }
0x74: {  	[tilespmem:s10], [sflag:$0x5] =	stream.indirect_vreg.gather [hbm4b:s5+s3], $0x80, v2, vm0, $0xb8;
	[tilespmem:$0x10400] =	vst v63  }
0x75: {  	s11 =	simm.s32 $0x9400  }
0x76: {  	[tilespmem:s11], [sflag:$0x5] =	stream.indirect_vreg.gather [hbm4b:s6+s3], $0x80, v2, vm0, $0xb8;
	[tilespmem:$0x10400] =	vst v63  }
0x77: {  	s19 =	simm.s32 $0x9C00  }
0x78: {  	[tilespmem:s19], [sflag:$0x5] =	stream.indirect_vreg.gather [hbm4b:s7+s3], $0x80, v2, vm0, $0xb8;
	[tilespmem:$0x10400] =	vst v63  }
0x79: {  	v2 =	vld.msk [tilespmem:$0x28], $0xff;
	_ =	sdelay $0x4  }
0x7a: {  	v3 =	vshll.u32 v2, $0x3  }
0x7b: {  	v2 =	vand.u32 $0x7, v2;
	v3 =	vand.u32 $0xFFFFFFC0, v3  }
0x7c: {  	v2 =	vor.u32 v2, v3  }
0x7d: {  	v2 =	vperm.xlane v2, v0;
	_ =	sdelay $0x1  }
0x7e: {  	v2 =	vadd.s32 v1, v2;
	_ =	sdelay $0x4  }
0x7f: {  	[tilespmem:s16], [sflag:$0x6] =	stream.indirect_vreg.gather [hbm4b:s2+s3], $0x80, v2, vm0, $0xb8;
	[tilespmem:$0x10400] =	vst v63  }
0x80: {  	s20 =	simm.s32 $0xAC00  }
0x81: {  	[tilespmem:s20], [sflag:$0x6] =	stream.indirect_vreg.gather [hbm4b:s5+s3], $0x80, v2, vm0, $0xb8;
	[tilespmem:$0x10400] =	vst v63  }
0x82: {  	s21 =	simm.s32 $0xB400  }
0x83: {  	[tilespmem:s21], [sflag:$0x6] =	stream.indirect_vreg.gather [hbm4b:s6+s3], $0x80, v2, vm0, $0xb8;
	[tilespmem:$0x10400] =	vst v63  }
0x84: {  	s22 =	simm.s32 $0xBC00  }
0x85: {  	[tilespmem:s22], [sflag:$0x6] =	stream.indirect_vreg.gather [hbm4b:s7+s3], $0x80, v2, vm0, $0xb8;
	[tilespmem:$0x10400] =	vst v63  }
0x86: {  	v2 =	vld.msk [tilespmem:$0x30], $0xff;
	_ =	sdelay $0x4  }
0x87: {  	v3 =	vshll.u32 v2, $0x3  }
0x88: {  	v2 =	vand.u32 $0x7, v2;
	v3 =	vand.u32 $0xFFFFFFC0, v3  }
0x89: {  	v2 =	vor.u32 v2, v3  }
0x8a: {  	v2 =	vperm.xlane v2, v0;
	_ =	sdelay $0x1  }
0x8b: {  	v2 =	vadd.s32 v1, v2;
	_ =	sdelay $0x3  }
0x8c: {  	s21 =	simm.s32 $0xC400  }
0x8d: {  	[tilespmem:s21], [sflag:$0x7] =	stream.indirect_vreg.gather [hbm4b:s2+s3], $0x80, v2, vm0, $0xb8;
	[tilespmem:$0x10400] =	vst v63  }
0x8e: {  	s9 =	simm.s32 $0xCC00  }
0x8f: {  	[tilespmem:s9], [sflag:$0x7] =	stream.indirect_vreg.gather [hbm4b:s5+s3], $0x80, v2, vm0, $0xb8;
	[tilespmem:$0x10400] =	vst v63  }
0x90: {  	s10 =	simm.s32 $0xD400  }
0x91: {  	[tilespmem:s10], [sflag:$0x7] =	stream.indirect_vreg.gather [hbm4b:s6+s3], $0x80, v2, vm0, $0xb8;
	[tilespmem:$0x10400] =	vst v63  }
0x92: {  	s11 =	simm.s32 $0xDC00  }
0x93: {  	[tilespmem:s11], [sflag:$0x7] =	stream.indirect_vreg.gather [hbm4b:s7+s3], $0x80, v2, vm0, $0xb8;
	[tilespmem:$0x10400] =	vst v63  }
0x94: {  	v2 =	vld.msk [tilespmem:$0x38], $0xff;
	_ =	sdelay $0x4  }
0x95: {  	v3 =	vshll.u32 v2, $0x3  }
0x96: {  	v2 =	vand.u32 $0x7, v2;
	v3 =	vand.u32 $0xFFFFFFC0, v3  }
0x97: {  	v2 =	vor.u32 v2, v3  }
0x98: {  	v2 =	vperm.xlane v2, v0;
	_ =	sdelay $0x1  }
0x99: {  	v2 =	vadd.s32 v1, v2;
	_ =	sdelay $0x3  }
0x9a: {  	s22 =	simm.s32 $0xE400  }
0x9b: {  	[tilespmem:s22], [sflag:$0x8] =	stream.indirect_vreg.gather [hbm4b:s2+s3], $0x80, v2, vm0, $0xb8;
	[tilespmem:$0x10400] =	vst v63  }
0x9c: {  	s16 =	simm.s32 $0xEC00  }
0x9d: {  	[tilespmem:s16], [sflag:$0x8] =	stream.indirect_vreg.gather [hbm4b:s5+s3], $0x80, v2, vm0, $0xb8;
	[tilespmem:$0x10400] =	vst v63  }
0x9e: {  	s19 =	simm.s32 $0xF400  }
0x9f: {  	[tilespmem:s19], [sflag:$0x8] =	stream.indirect_vreg.gather [hbm4b:s6+s3], $0x80, v2, vm0, $0xb8;
	[tilespmem:$0x10400] =	vst v63  }
0xa0: {  	s1 =	simm.s32 $0x6400;
	s20 =	simm.s32 $0xFC00;
	s9 =	simm.s32 $0x0  }
0xa1: {  	[tilespmem:s20], [sflag:$0x8] =	stream.indirect_vreg.gather [hbm4b:s7+s3], $0x80, v2, vm0, $0xb8;
	[tilespmem:$0x10400] =	vst v63  }
0xa2: {  	s10 =	simm.s32 $0x8400;
	s16 =	simm.s32 $0xA400;
	s20 =	simm.s32 $0x78  }
.LBB2_2:
0xa3: {  	s11 =	simm.s32 $0x1  }
0xa4: {  	_ =	swait.ge [sflag:s11], $0x2000  }
0xa5: {  	[sflag:s11] =	ssyncset.done $0x0;
	s19 =	rddreg [dreg:$0x6]  }
0xa6: {  	[sflag:s11] =	ssyncadd.s32 $0xFFFFE000;
	s11 =	sadd.s32 s9, s19;
	s19 =	simm.s32 $0x2  }
0xa7: {  	[hbm4b:s11+s3] =	stream.linear.scatter [tilespmem:s15], [sflag:$0x9], $0x2000, $0x38;
	[tilespmem:$0x10400] =	vst v63  }
0xa8: {  	_ =	swait.ge [sflag:s19], $0x2000  }
0xa9: {  	[sflag:s19] =	ssyncset.done $0x0  }
0xaa: {  	s15 =	sadd.s32 $0x400, s11;
	[sflag:s19] =	ssyncadd.s32 $0xFFFFE000  }
0xab: {  	[hbm4b:s15+s3] =	stream.linear.scatter [tilespmem:s23], [sflag:$0xA], $0x2000, $0x38;
	[tilespmem:$0x10400] =	vst v63  }
0xac: {  	_ =	swait.ge [sflag:s24], $0x2000  }
0xad: {  	[sflag:s24] =	ssyncset.done $0x0  }
0xae: {  	s15 =	sadd.s32 $0x800, s11;
	[sflag:s24] =	ssyncadd.s32 $0xFFFFE000  }
0xaf: {  	[hbm4b:s15+s3] =	stream.linear.scatter [tilespmem:s28], [sflag:$0xB], $0x2000, $0x38;
	[tilespmem:$0x10400] =	vst v63  }
0xb0: {  	_ =	swait.ge [sflag:s25], $0x2000  }
0xb1: {  	[sflag:s25] =	ssyncset.done $0x0  }
0xb2: {  	s15 =	sadd.s32 $0xC00, s11;
	[sflag:s25] =	ssyncadd.s32 $0xFFFFE000  }
0xb3: {  	[hbm4b:s15+s3] =	stream.linear.scatter [tilespmem:s1], [sflag:$0xC], $0x2000, $0x38;
	[tilespmem:$0x10400] =	vst v63  }
0xb4: {  	_ =	swait.ge [sflag:s26], $0x2000  }
0xb5: {  	[sflag:s26] =	ssyncset.done $0x0  }
0xb6: {  	s15 =	sadd.s32 $0x1000, s11;
	[sflag:s26] =	ssyncadd.s32 $0xFFFFE000  }
0xb7: {  	[hbm4b:s15+s3] =	stream.linear.scatter [tilespmem:s10], [sflag:$0xD], $0x2000, $0x38;
	[tilespmem:$0x10400] =	vst v63  }
0xb8: {  	_ =	swait.ge [sflag:s29], $0x2000  }
0xb9: {  	[sflag:s29] =	ssyncset.done $0x0  }
0xba: {  	s15 =	sadd.s32 $0x1400, s11;
	[sflag:s29] =	ssyncadd.s32 $0xFFFFE000  }
0xbb: {  	[hbm4b:s15+s3] =	stream.linear.scatter [tilespmem:s16], [sflag:$0xE], $0x2000, $0x38;
	[tilespmem:$0x10400] =	vst v63  }
0xbc: {  	_ =	swait.ge [sflag:s30], $0x2000  }
0xbd: {  	[sflag:s30] =	ssyncset.done $0x0  }
0xbe: {  	p0 =	seq.s32 s9, $0x1E000;
	s15 =	sadd.s32 $0x1800, s11;
	[sflag:s30] =	ssyncadd.s32 $0xFFFFE000  }
0xbf: {  	[hbm4b:s15+s3] =	stream.linear.scatter [tilespmem:s21], [sflag:$0xF], $0x2000, $0x38;
	[tilespmem:$0x10400] =	vst v63  }
.Ltmp2:
0xc0: {  	_ = 	snop;
	(pc) =	sbr.rel @p0 .LBB2_4-.Ltmp2, $4  }
0xc1: {  	_ =	swait.ge [sflag:s31], $0x2000  }
0xc2: {  	s19 =	simm.s32 $0x400;
	s11 =	sadd.s32 $0x1C00, s11;
	[sflag:s31] =	ssyncset.done $0x0  }
0xc3: {  	s15 =	simm.s32 $0xC400;
	s21 =	simm.s32 $0xE400;
	[sflag:s31] =	ssyncadd.s32 $0xFFFFE000  }
0xc4: {  	[hbm4b:s11+s3] =	stream.linear.scatter [tilespmem:s22], [sflag:$0x10], $0x2000, $0x38;
	[tilespmem:$0x10400] =	vst v63  }
0xc5: {  	_ =	swait.ge [sflag:s0], $0x2000  }
0xc6: {  	[sflag:s0] =	ssyncset.done $0x0  }
0xc7: {  	[sflag:s0] =	ssyncadd.s32 $0xFFFFE000  }
0xc8: {  	v2 =	vld.msk [tilespmem:s20+$0xFFFFFFC8], $0xff;
	_ =	sdelay $0x4  }
0xc9: {  	v3 =	vshll.u32 v2, $0x3  }
0xca: {  	v2 =	vand.u32 $0x7, v2;
	v3 =	vand.u32 $0xFFFFFFC0, v3  }
0xcb: {  	v2 =	vor.u32 v2, v3  }
0xcc: {  	v2 =	vperm.xlane v2, v0;
	_ =	sdelay $0x1  }
0xcd: {  	v2 =	vadd.s32 v1, v2;
	_ =	sdelay $0x4  }
0xce: {  	[tilespmem:s19], [sflag:$0x1] =	stream.indirect_vreg.gather [hbm4b:s2+s3], $0x80, v2, vm0, $0xb8;
	[tilespmem:$0x10400] =	vst v63  }
0xcf: {  	s11 =	simm.s32 $0xC00  }
0xd0: {  	[tilespmem:s11], [sflag:$0x1] =	stream.indirect_vreg.gather [hbm4b:s5+s3], $0x80, v2, vm0, $0xb8;
	[tilespmem:$0x10400] =	vst v63  }
0xd1: {  	s22 =	simm.s32 $0x1400  }
0xd2: {  	[tilespmem:s22], [sflag:$0x1] =	stream.indirect_vreg.gather [hbm4b:s6+s3], $0x80, v2, vm0, $0xb8;
	[tilespmem:$0x10400] =	vst v63  }
0xd3: {  	s19 =	simm.s32 $0x1C00  }
0xd4: {  	[tilespmem:s19], [sflag:$0x1] =	stream.indirect_vreg.gather [hbm4b:s7+s3], $0x80, v2, vm0, $0xb8;
	[tilespmem:$0x10400] =	vst v63  }
0xd5: {  	_ =	swait.ge [sflag:s4], $0x2000  }
0xd6: {  	[sflag:s4] =	ssyncset.done $0x0  }
0xd7: {  	[sflag:s4] =	ssyncadd.s32 $0xFFFFE000  }
0xd8: {  	v2 =	vld.msk [tilespmem:s20+$0xFFFFFFD0], $0xff;
	_ =	sdelay $0x4  }
0xd9: {  	v3 =	vshll.u32 v2, $0x3  }
0xda: {  	v2 =	vand.u32 $0x7, v2;
	v3 =	vand.u32 $0xFFFFFFC0, v3  }
0xdb: {  	v2 =	vor.u32 v2, v3  }
0xdc: {  	v2 =	vperm.xlane v2, v0;
	_ =	sdelay $0x1  }
0xdd: {  	v2 =	vadd.s32 v1, v2;
	_ =	sdelay $0x4  }
0xde: {  	[tilespmem:s23], [sflag:$0x2] =	stream.indirect_vreg.gather [hbm4b:s2+s3], $0x80, v2, vm0, $0xb8;
	[tilespmem:$0x10400] =	vst v63  }
0xdf: {  	s22 =	simm.s32 $0x2C00  }
0xe0: {  	[tilespmem:s22], [sflag:$0x2] =	stream.indirect_vreg.gather [hbm4b:s5+s3], $0x80, v2, vm0, $0xb8;
	[tilespmem:$0x10400] =	vst v63  }
0xe1: {  	s19 =	simm.s32 $0x3400  }
0xe2: {  	[tilespmem:s19], [sflag:$0x2] =	stream.indirect_vreg.gather [hbm4b:s6+s3], $0x80, v2, vm0, $0xb8;
	[tilespmem:$0x10400] =	vst v63  }
0xe3: {  	s22 =	simm.s32 $0x3C00  }
0xe4: {  	[tilespmem:s22], [sflag:$0x2] =	stream.indirect_vreg.gather [hbm4b:s7+s3], $0x80, v2, vm0, $0xb8;
	[tilespmem:$0x10400] =	vst v63  }
0xe5: {  	_ =	swait.ge [sflag:s8], $0x2000  }
0xe6: {  	[sflag:s8] =	ssyncset.done $0x0  }
0xe7: {  	[sflag:s8] =	ssyncadd.s32 $0xFFFFE000  }
0xe8: {  	v2 =	vld.msk [tilespmem:s20+$0xFFFFFFD8], $0xff;
	_ =	sdelay $0x4  }
0xe9: {  	v3 =	vshll.u32 v2, $0x3  }
0xea: {  	v2 =	vand.u32 $0x7, v2;
	v3 =	vand.u32 $0xFFFFFFC0, v3  }
0xeb: {  	v2 =	vor.u32 v2, v3  }
0xec: {  	v2 =	vperm.xlane v2, v0;
	_ =	sdelay $0x1  }
0xed: {  	v2 =	vadd.s32 v1, v2;
	_ =	sdelay $0x4  }
0xee: {  	[tilespmem:s28], [sflag:$0x3] =	stream.indirect_vreg.gather [hbm4b:s2+s3], $0x80, v2, vm0, $0xb8;
	[tilespmem:$0x10400] =	vst v63  }
0xef: {  	s19 =	simm.s32 $0x4C00  }
0xf0: {  	[tilespmem:s19], [sflag:$0x3] =	stream.indirect_vreg.gather [hbm4b:s5+s3], $0x80, v2, vm0, $0xb8;
	[tilespmem:$0x10400] =	vst v63  }
0xf1: {  	s22 =	simm.s32 $0x5400  }
0xf2: {  	[tilespmem:s22], [sflag:$0x3] =	stream.indirect_vreg.gather [hbm4b:s6+s3], $0x80, v2, vm0, $0xb8;
	[tilespmem:$0x10400] =	vst v63  }
0xf3: {  	s19 =	simm.s32 $0x5C00  }
0xf4: {  	[tilespmem:s19], [sflag:$0x3] =	stream.indirect_vreg.gather [hbm4b:s7+s3], $0x80, v2, vm0, $0xb8;
	[tilespmem:$0x10400] =	vst v63  }
0xf5: {  	_ =	swait.ge [sflag:s12], $0x2000  }
0xf6: {  	[sflag:s12] =	ssyncset.done $0x0  }
0xf7: {  	[sflag:s12] =	ssyncadd.s32 $0xFFFFE000  }
0xf8: {  	v2 =	vld.msk [tilespmem:s20+$0xFFFFFFE0], $0xff;
	_ =	sdelay $0x4  }
0xf9: {  	v3 =	vshll.u32 v2, $0x3  }
0xfa: {  	v2 =	vand.u32 $0x7, v2;
	v3 =	vand.u32 $0xFFFFFFC0, v3  }
0xfb: {  	v2 =	vor.u32 v2, v3  }
0xfc: {  	v2 =	vperm.xlane v2, v0;
	_ =	sdelay $0x1  }
0xfd: {  	v2 =	vadd.s32 v1, v2;
	_ =	sdelay $0x4  }
0xfe: {  	[tilespmem:s1], [sflag:$0x4] =	stream.indirect_vreg.gather [hbm4b:s2+s3], $0x80, v2, vm0, $0xb8;
	[tilespmem:$0x10400] =	vst v63  }
0xff: {  	s22 =	simm.s32 $0x6C00  }
0x100: {  	[tilespmem:s22], [sflag:$0x4] =	stream.indirect_vreg.gather [hbm4b:s5+s3], $0x80, v2, vm0, $0xb8;
	[tilespmem:$0x10400] =	vst v63  }
0x101: {  	s19 =	simm.s32 $0x7400  }
0x102: {  	[tilespmem:s19], [sflag:$0x4] =	stream.indirect_vreg.gather [hbm4b:s6+s3], $0x80, v2, vm0, $0xb8;
	[tilespmem:$0x10400] =	vst v63  }
0x103: {  	s22 =	simm.s32 $0x7C00  }
0x104: {  	[tilespmem:s22], [sflag:$0x4] =	stream.indirect_vreg.gather [hbm4b:s7+s3], $0x80, v2, vm0, $0xb8;
	[tilespmem:$0x10400] =	vst v63  }
0x105: {  	_ =	swait.ge [sflag:s13], $0x2000  }
0x106: {  	[sflag:s13] =	ssyncset.done $0x0  }
0x107: {  	[sflag:s13] =	ssyncadd.s32 $0xFFFFE000  }
0x108: {  	v2 =	vld.msk [tilespmem:s20+$0xFFFFFFE8], $0xff;
	_ =	sdelay $0x4  }
0x109: {  	v3 =	vshll.u32 v2, $0x3  }
0x10a: {  	v2 =	vand.u32 $0x7, v2;
	v3 =	vand.u32 $0xFFFFFFC0, v3  }
0x10b: {  	v2 =	vor.u32 v2, v3  }
0x10c: {  	v2 =	vperm.xlane v2, v0;
	_ =	sdelay $0x1  }
0x10d: {  	v2 =	vadd.s32 v1, v2;
	_ =	sdelay $0x4  }
0x10e: {  	[tilespmem:s10], [sflag:$0x5] =	stream.indirect_vreg.gather [hbm4b:s2+s3], $0x80, v2, vm0, $0xb8;
	[tilespmem:$0x10400] =	vst v63  }
0x10f: {  	s19 =	simm.s32 $0x8C00  }
0x110: {  	[tilespmem:s19], [sflag:$0x5] =	stream.indirect_vreg.gather [hbm4b:s5+s3], $0x80, v2, vm0, $0xb8;
	[tilespmem:$0x10400] =	vst v63  }
0x111: {  	s22 =	simm.s32 $0x9400  }
0x112: {  	[tilespmem:s22], [sflag:$0x5] =	stream.indirect_vreg.gather [hbm4b:s6+s3], $0x80, v2, vm0, $0xb8;
	[tilespmem:$0x10400] =	vst v63  }
0x113: {  	s19 =	simm.s32 $0x9C00  }
0x114: {  	[tilespmem:s19], [sflag:$0x5] =	stream.indirect_vreg.gather [hbm4b:s7+s3], $0x80, v2, vm0, $0xb8;
	[tilespmem:$0x10400] =	vst v63  }
0x115: {  	_ =	swait.ge [sflag:s14], $0x2000  }
0x116: {  	[sflag:s14] =	ssyncset.done $0x0  }
0x117: {  	[sflag:s14] =	ssyncadd.s32 $0xFFFFE000  }
0x118: {  	v2 =	vld.msk [tilespmem:s20+$0xFFFFFFF0], $0xff;
	_ =	sdelay $0x4  }
0x119: {  	v3 =	vshll.u32 v2, $0x3  }
0x11a: {  	v2 =	vand.u32 $0x7, v2;
	v3 =	vand.u32 $0xFFFFFFC0, v3  }
0x11b: {  	v2 =	vor.u32 v2, v3  }
0x11c: {  	v2 =	vperm.xlane v2, v0;
	_ =	sdelay $0x1  }
0x11d: {  	v2 =	vadd.s32 v1, v2;
	_ =	sdelay $0x4  }
0x11e: {  	[tilespmem:s16], [sflag:$0x6] =	stream.indirect_vreg.gather [hbm4b:s2+s3], $0x80, v2, vm0, $0xb8;
	[tilespmem:$0x10400] =	vst v63  }
0x11f: {  	s22 =	simm.s32 $0xAC00  }
0x120: {  	[tilespmem:s22], [sflag:$0x6] =	stream.indirect_vreg.gather [hbm4b:s5+s3], $0x80, v2, vm0, $0xb8;
	[tilespmem:$0x10400] =	vst v63  }
0x121: {  	s19 =	simm.s32 $0xB400  }
0x122: {  	[tilespmem:s19], [sflag:$0x6] =	stream.indirect_vreg.gather [hbm4b:s6+s3], $0x80, v2, vm0, $0xb8;
	[tilespmem:$0x10400] =	vst v63  }
0x123: {  	s22 =	simm.s32 $0xBC00  }
0x124: {  	[tilespmem:s22], [sflag:$0x6] =	stream.indirect_vreg.gather [hbm4b:s7+s3], $0x80, v2, vm0, $0xb8;
	[tilespmem:$0x10400] =	vst v63  }
0x125: {  	_ =	swait.ge [sflag:s17], $0x2000  }
0x126: {  	[sflag:s17] =	ssyncset.done $0x0  }
0x127: {  	[sflag:s17] =	ssyncadd.s32 $0xFFFFE000  }
0x128: {  	v2 =	vld.msk [tilespmem:s20+$0xFFFFFFF8], $0xff;
	_ =	sdelay $0x4  }
0x129: {  	v3 =	vshll.u32 v2, $0x3  }
0x12a: {  	v2 =	vand.u32 $0x7, v2;
	v3 =	vand.u32 $0xFFFFFFC0, v3  }
0x12b: {  	v2 =	vor.u32 v2, v3  }
0x12c: {  	v2 =	vperm.xlane v2, v0;
	_ =	sdelay $0x1  }
0x12d: {  	v2 =	vadd.s32 v1, v2;
	_ =	sdelay $0x4  }
0x12e: {  	[tilespmem:s15], [sflag:$0x7] =	stream.indirect_vreg.gather [hbm4b:s2+s3], $0x80, v2, vm0, $0xb8;
	[tilespmem:$0x10400] =	vst v63  }
0x12f: {  	s19 =	simm.s32 $0xCC00  }
0x130: {  	[tilespmem:s19], [sflag:$0x7] =	stream.indirect_vreg.gather [hbm4b:s5+s3], $0x80, v2, vm0, $0xb8;
	[tilespmem:$0x10400] =	vst v63  }
0x131: {  	s22 =	simm.s32 $0xD400  }
0x132: {  	[tilespmem:s22], [sflag:$0x7] =	stream.indirect_vreg.gather [hbm4b:s6+s3], $0x80, v2, vm0, $0xb8;
	[tilespmem:$0x10400] =	vst v63  }
0x133: {  	s15 =	simm.s32 $0xDC00  }
0x134: {  	[tilespmem:s15], [sflag:$0x7] =	stream.indirect_vreg.gather [hbm4b:s7+s3], $0x80, v2, vm0, $0xb8;
	[tilespmem:$0x10400] =	vst v63  }
0x135: {  	_ =	swait.ge [sflag:s18], $0x2000  }
0x136: {  	[sflag:s18] =	ssyncset.done $0x0  }
0x137: {  	[sflag:s18] =	ssyncadd.s32 $0xFFFFE000  }
0x138: {  	v2 =	vld.msk [tilespmem:s20+$0x0], $0xff;
	_ =	sdelay $0x4  }
0x139: {  	v3 =	vshll.u32 v2, $0x3  }
0x13a: {  	v2 =	vand.u32 $0x7, v2;
	v3 =	vand.u32 $0xFFFFFFC0, v3  }
0x13b: {  	v2 =	vor.u32 v2, v3  }
0x13c: {  	v2 =	vperm.xlane v2, v0;
	_ =	sdelay $0x1  }
0x13d: {  	v2 =	vadd.s32 v1, v2;
	_ =	sdelay $0x4  }
0x13e: {  	[tilespmem:s21], [sflag:$0x8] =	stream.indirect_vreg.gather [hbm4b:s2+s3], $0x80, v2, vm0, $0xb8;
	[tilespmem:$0x10400] =	vst v63  }
0x13f: {  	s19 =	simm.s32 $0xEC00  }
0x140: {  	[tilespmem:s19], [sflag:$0x8] =	stream.indirect_vreg.gather [hbm4b:s5+s3], $0x80, v2, vm0, $0xb8;
	[tilespmem:$0x10400] =	vst v63  }
.Ltmp3:
0x141: {  	s21 =	simm.s32 $0xF400;
	(pc) =	sbr.rel .LBB2_2-.Ltmp3, $4  }
0x142: {  	[tilespmem:s21], [sflag:$0x8] =	stream.indirect_vreg.gather [hbm4b:s6+s3], $0x80, v2, vm0, $0xb8;
	[tilespmem:$0x10400] =	vst v63  }
0x143: {  	s9 =	sadd.s32 $0x2000, s9;
	s22 =	simm.s32 $0xFC00;
	s15 =	simm.s32 $0x400  }
0x144: {  	[tilespmem:s22], [sflag:$0x8] =	stream.indirect_vreg.gather [hbm4b:s7+s3], $0x80, v2, vm0, $0xb8;
	[tilespmem:$0x10400] =	vst v63  }
0x145: {  	s20 =	sadd.s32 $0x40, s20;
	s21 =	simm.s32 $0xC400;
	s22 =	simm.s32 $0xE400  }
.LBB2_5:
0x146: {  	_ =	sfence.sel $0x180000  }
0x147: {  	[bflag:$0x0] =	sbarrier.arrive $0xFFFF  }
0x148: {  	_ =	strace $0x90000047  }
0x149: {  	s0 =	stileid.u32;
	[bflag:$0x2] =	sbarrier.arrive $0xFFFF  }
0x14a: {  	p0 =	sne.s32 s0, $0x0;
	s0 =	rddreg [dreg:$0x3]  }
0x14b: {  	s0 =	sadd.s32 @!p0 $0x100000, s0  }
0x14c: {  	[sflag:s0] =	ssyncadd.tile.s32 @!p0 $0x1;
	_ =	shalt  }
.Lfunc_end2:
_tile_overlayer_lowered:
.L_overlay_start_2:
0x14d: {  	(tag) =	ssettag $0x2  }
0x14e: {  	s0 =	rddreg [dreg:$0x0];
	s2 =	stileid.u32  }
0x14f: {  	s1 =	rddreg [dreg:$0x1];
	p0 =	sne.s32 s2, $0x0  }
0x150: {  	s3 =	rddreg [dreg:$0x2];
	[bflag:$0x3] =	sbarrier.arrive $0xFFFF;
	s2 =	simm.s32 @!p0 $0x1C11  }
0x151: {  	[timem:s3], [sflag:s2] =	dma.local @!p0 [hbm:s0], s1  }
0x152: {  	s0 =	simm.s32 @!p0 $0x11  }
0x153: {  	_ =	swait.ge @!p0 [sflag:s0], s1  }
0x154: {  	s1 =	ssub.s32 @!p0 $0x0, s1;
	[sflag:s0] =	ssyncset.done @!p0 $0x0  }
0x155: {  	[sflag:s0] =	ssyncadd.s32 @!p0 s1  }
0x156: {  	[bflag:$0x3] =	sbarrier.arrive $0xFFFF  }
0x157: {  	_ =	shalt  }

</sc_bundles>
